<compile_context>
chip_gen: v7x
topology: tpu7x:2x2x1
jax: 0.10.2.dev20260603
libtpu: 0.0.44.dev20260713+nightly
codegen_flags: <defaults>
</compile_context>

<pallas_src>
import functools

import jax
import jax.numpy as jnp
from jax import lax
from jax.experimental import pallas as pl
from jax.experimental.pallas import tpu as pltpu
from jax.experimental.pallas import tpu_sc as plsc

_BATCH = 4096
_SEQ = 200
_HIDDEN = 64
_VOCAB = 1000000
_PADW = 128
_TOTAL = _BATCH * _SEQ
_NW = 32
_CHUNK = 64
_NCHUNK = _TOTAL // (_NW * _CHUNK)
_K = 5
_NSETS = _NCHUNK // _K
_PAIRS = _NSETS // 2


def _make_lookup():
    mesh = plsc.VectorSubcoreMesh(core_axis_name="c", subcore_axis_name="s")

    @functools.partial(
        pl.kernel,
        mesh=mesh,
        out_type=jax.ShapeDtypeStruct((_TOTAL, _PADW), jnp.float32),
        scratch_types=[
            pltpu.VMEM((_NCHUNK, _CHUNK), jnp.int32),
            pltpu.VMEM((2, _K, _CHUNK, _PADW), jnp.float32),
            pltpu.SemaphoreType.DMA,
            pltpu.SemaphoreType.DMA,
            pltpu.SemaphoreType.DMA,
            pltpu.SemaphoreType.DMA,
        ],
        compiler_params=pltpu.CompilerParams(
            use_tc_tiling_on_sc=False, needs_layout_passes=False),
    )
    def lookup(table_hbm, idx_hbm, out_hbm, idx_v, rows_v, g0s, g1s, w0s,
               w1s):
        wid = lax.axis_index("s") * 2 + lax.axis_index("c")
        chunk0 = wid * _NCHUNK
        gsems = (g0s, g1s)
        wsems = (w0s, w1s)

        pltpu.sync_copy(idx_hbm.at[pl.ds(chunk0, _NCHUNK)], idx_v)

        def fire_gathers(s, p):
            for b in range(_K):
                pltpu.async_copy(
                    table_hbm.at[idx_v.at[s * _K + b]],
                    rows_v.at[p].at[b],
                    gsems[p],
                )

        def drain(sem, dst_vmem):
            for b in range(_K):
                if dst_vmem:
                    pltpu.make_async_copy(
                        table_hbm.at[pl.ds(0, _CHUNK)],
                        rows_v.at[0].at[b],
                        sem,
                    ).wait()
                else:
                    pltpu.make_async_copy(
                        rows_v.at[0].at[b],
                        out_hbm.at[pl.ds(0, _CHUNK)],
                        sem,
                    ).wait()

        def fire_writebacks(s, p):
            for b in range(_K):
                ga = (chunk0 + s * _K + b) * _CHUNK
                pltpu.async_copy(
                    rows_v.at[p].at[b],
                    out_hbm.at[pl.ds(ga, _CHUNK)],
                    wsems[p],
                )

        fire_gathers(0, 0)

        def pair(t, carry):
            for p in range(2):
                s = 2 * t + p
                if p == 0:
                    @pl.when(t > 0)
                    def _():
                        drain(wsems[1], False)
                else:
                    drain(wsems[0], False)
                if p == 0:
                    fire_gathers(s + 1, 1)
                else:
                    @pl.when(t < _PAIRS - 1)
                    def _():
                        fire_gathers(s + 1, 0)
                drain(gsems[p], True)
                fire_writebacks(s, p)
            return carry

        lax.fori_loop(0, _PAIRS, pair, 0)

        drain(wsems[1], False)

    return lookup


_lookup = _make_lookup()


def kernel(item_seqs, emb):
    table3 = jnp.pad(emb, ((0, 0), (0, _PADW - _HIDDEN)))
    flat_idx = item_seqs.reshape(_TOTAL // _CHUNK, _CHUNK)
    out = _lookup(table3, flat_idx)
    return out.reshape(_BATCH, _SEQ, _PADW)[:, :, :_HIDDEN]

# --- scband reference (transcript-rebuilt; emitter-appended) ---
"""Pipeline reference for scband-token-embedding-34780645163116 (READ-ONLY COPY).

The authoritative reference and input builder live on the scoring server;
editing this copy changes nothing except your own understanding.
"""

import jax, jax.numpy as jnp
import numpy as np

VOCAB = 1000000  # item_num + 1
HIDDEN = 64
BATCH = 4096
SEQ = 200


def setup_inputs(seed: int = 0) -> dict:
    key = jax.random.key(seed)
    k_idx, k_emb = jax.random.split(key)
    item_seqs = jax.random.randint(k_idx, (BATCH, SEQ), 0, VOCAB, dtype=jnp.int32)
    emb = jax.random.normal(k_emb, (VOCAB, HIDDEN), dtype=jnp.float32) * 0.02
    # padding_idx=0 -> row 0 is zero, matching nn.Embedding(padding_idx=0) init
    emb = emb.at[0].set(0.0)
    return {"item_seqs": item_seqs, "emb": emb}


def reference(item_seqs, emb):
    # TokenEmbedding.forward: self.emb(batch['item_seqs'])
    return jnp.take(emb, item_seqs, axis=0)

if __name__ == "__main__":
    import jax
    _d = setup_inputs()
    print(jax.jit(kernel)(*tuple(_d.values())))

</pallas_src>

<mosaic_0001>
#map = affine_map<(d0, d1) -> (0, 0)>
module attributes {stable_mosaic.version = 14 : i64} {
  func.func @lookup(%arg0: i32, %arg1: i32, %arg2: memref<1000000x128xf32, #tpu.memory_space<hbm>>, %arg3: memref<12800x64xi32, #tpu.memory_space<hbm>>, %arg4: memref<819200x128xf32, #tpu.memory_space<hbm>>, %arg5: memref<400x64xi32, #tpu.memory_space<vmem>>, %arg6: memref<2x5x64x128xf32, #tpu.memory_space<vmem>>, %arg7: memref<!tpu.dma_semaphore, #tpu.memory_space<semaphore_mem>>, %arg8: memref<!tpu.dma_semaphore, #tpu.memory_space<semaphore_mem>>, %arg9: memref<!tpu.dma_semaphore, #tpu.memory_space<semaphore_mem>>, %arg10: memref<!tpu.dma_semaphore, #tpu.memory_space<semaphore_mem>>) attributes {dimension_semantics = [#tpu.dimension_semantics<core_parallel>, #tpu.dimension_semantics<subcore_parallel>], iteration_bounds = array<i64: 2, 16>, scalar_prefetch = 0 : i64, scratch_operands = 6 : i64, tpu.core_type = #tpu.core_type<sc_vector_subcore>, window_params = [{transform_indices = #map}, {transform_indices = #map}, {transform_indices = #map}]} {
    %mul3A = arith.constant 2 : i32
    %mul3A_0 = arith.muli %arg1, %mul3A : i32
    %add3A = arith.addi %mul3A_0, %arg0 : i32
    %mul3A_1 = arith.constant 400 : i32
    %mul3A_2 = arith.muli %add3A, %mul3A_1 : i32
    "tpu.region"() ({
      %run_scoped3A = tpu.sem_alloc : memref<!tpu.dma_semaphore, #tpu.memory_space<semaphore_mem>>
      %dma_start3A_226 = arith.constant 0 : i32
      %dma_start3A_227 = tpu.memref_slice %arg3[%mul3A_2, %dma_start3A_226] : memref<12800x64xi32, #tpu.memory_space<hbm>> -> memref<400x64xi32, #tpu.memory_space<hbm>>
      %dma_start3A_228 = arith.constant 0 : i32
      %dma_start3A_229 = tpu.memref_slice %arg3[%mul3A_2, %dma_start3A_228] : memref<12800x64xi32, #tpu.memory_space<hbm>> -> memref<400x64xi32, #tpu.memory_space<hbm>>
      tpu.enqueue_dma source(%dma_start3A_229 : memref<400x64xi32, #tpu.memory_space<hbm>>) target(%arg5 : memref<400x64xi32, #tpu.memory_space<vmem>>) target_semaphore(%run_scoped3A : memref<!tpu.dma_semaphore, #tpu.memory_space<semaphore_mem>>)
      %dma_wait3A_230 = arith.constant 0 : i32
      %dma_wait3A_231 = tpu.memref_slice %arg3[%mul3A_2, %dma_wait3A_230] : memref<12800x64xi32, #tpu.memory_space<hbm>> -> memref<400x64xi32, #tpu.memory_space<hbm>>
      %dma_wait3A_232 = arith.constant 0 : i32
      %dma_wait3A_233 = tpu.memref_slice %arg3[%mul3A_2, %dma_wait3A_232] : memref<12800x64xi32, #tpu.memory_space<hbm>> -> memref<400x64xi32, #tpu.memory_space<hbm>>
      tpu.wait_dma2 semaphore(%run_scoped3A : memref<!tpu.dma_semaphore, #tpu.memory_space<semaphore_mem>>) src(%dma_wait3A_233 : memref<400x64xi32, #tpu.memory_space<hbm>>) dst(%arg5 : memref<400x64xi32, #tpu.memory_space<vmem>>)
      tpu.yield
    }) : () -> ()
    %dma_start3A = arith.constant 0 : i32
    %dma_start3A_3 = arith.constant 0 : i32
    %dma_start3A_4 = arith.constant 0 : i32
    %dma_start3A_5 = arith.constant 0 : i32
    %dma_start3A_6 = arith.constant 0 : i32
    %dma_start3A_7 = arith.constant 0 : i32
    %dma_start3A_8 = tpu.memref_slice %arg6[%dma_start3A_3, %dma_start3A_5, %dma_start3A_6, %dma_start3A_7] : memref<2x5x64x128xf32, #tpu.memory_space<vmem>> -> memref<1x5x64x128xf32, #tpu.memory_space<vmem>>
    %dma_start3A_9 = tpu.memref_squeeze %dma_start3A_8 : memref<1x5x64x128xf32, #tpu.memory_space<vmem>> -> memref<5x64x128xf32, #tpu.memory_space<vmem>>
    %dma_start3A_10 = arith.constant 0 : i32
    %dma_start3A_11 = arith.constant 0 : i32
    %dma_start3A_12 = tpu.memref_slice %dma_start3A_9[%dma_start3A_4, %dma_start3A_10, %dma_start3A_11] : memref<5x64x128xf32, #tpu.memory_space<vmem>> -> memref<1x64x128xf32, #tpu.memory_space<vmem>>
    %dma_start3A_13 = tpu.memref_squeeze %dma_start3A_12 : memref<1x64x128xf32, #tpu.memory_space<vmem>> -> memref<64x128xf32, #tpu.memory_space<vmem>>
    %dma_start3A_14 = arith.constant 0 : i32
    %dma_start3A_15 = tpu.memref_slice %arg5[%dma_start3A, %dma_start3A_14] : memref<400x64xi32, #tpu.memory_space<vmem>> -> memref<1x64xi32, #tpu.memory_space<vmem>>
    %dma_start3A_16 = tpu.memref_squeeze %dma_start3A_15 : memref<1x64xi32, #tpu.memory_space<vmem>> -> memref<64xi32, #tpu.memory_space<vmem>>
    %dma_start3A_17 = arith.constant 0 : i32
    %dma_start3A_18 = arith.constant 0 : i32
    %dma_start3A_19 = tpu.memref_slice %arg2[%dma_start3A_17, %dma_start3A_18] : memref<1000000x128xf32, #tpu.memory_space<hbm>> -> memref<1000000x128xf32, #tpu.memory_space<hbm>>
    tpu.enqueue_indirect_dma source(%dma_start3A_19 : memref<1000000x128xf32, #tpu.memory_space<hbm>>) target(%dma_start3A_13 : memref<64x128xf32, #tpu.memory_space<vmem>>) offsets(%dma_start3A_16 : memref<64xi32, #tpu.memory_space<vmem>>) semaphore(%arg7 : memref<!tpu.dma_semaphore, #tpu.memory_space<semaphore_mem>>)
    %dma_start3A_20 = arith.constant 1 : i32
    %dma_start3A_21 = arith.constant 0 : i32
    %dma_start3A_22 = arith.constant 1 : i32
    %dma_start3A_23 = arith.constant 0 : i32
    %dma_start3A_24 = arith.constant 0 : i32
    %dma_start3A_25 = arith.constant 0 : i32
    %dma_start3A_26 = tpu.memref_slice %arg6[%dma_start3A_21, %dma_start3A_23, %dma_start3A_24, %dma_start3A_25] : memref<2x5x64x128xf32, #tpu.memory_space<vmem>> -> memref<1x5x64x128xf32, #tpu.memory_space<vmem>>
    %dma_start3A_27 = tpu.memref_squeeze %dma_start3A_26 : memref<1x5x64x128xf32, #tpu.memory_space<vmem>> -> memref<5x64x128xf32, #tpu.memory_space<vmem>>
    %dma_start3A_28 = arith.constant 0 : i32
    %dma_start3A_29 = arith.constant 0 : i32
    %dma_start3A_30 = tpu.memref_slice %dma_start3A_27[%dma_start3A_22, %dma_start3A_28, %dma_start3A_29] : memref<5x64x128xf32, #tpu.memory_space<vmem>> -> memref<1x64x128xf32, #tpu.memory_space<vmem>>
    %dma_start3A_31 = tpu.memref_squeeze %dma_start3A_30 : memref<1x64x128xf32, #tpu.memory_space<vmem>> -> memref<64x128xf32, #tpu.memory_space<vmem>>
    %dma_start3A_32 = arith.constant 0 : i32
    %dma_start3A_33 = tpu.memref_slice %arg5[%dma_start3A_20, %dma_start3A_32] : memref<400x64xi32, #tpu.memory_space<vmem>> -> memref<1x64xi32, #tpu.memory_space<vmem>>
    %dma_start3A_34 = tpu.memref_squeeze %dma_start3A_33 : memref<1x64xi32, #tpu.memory_space<vmem>> -> memref<64xi32, #tpu.memory_space<vmem>>
    %dma_start3A_35 = arith.constant 0 : i32
    %dma_start3A_36 = arith.constant 0 : i32
    %dma_start3A_37 = tpu.memref_slice %arg2[%dma_start3A_35, %dma_start3A_36] : memref<1000000x128xf32, #tpu.memory_space<hbm>> -> memref<1000000x128xf32, #tpu.memory_space<hbm>>
    tpu.enqueue_indirect_dma source(%dma_start3A_37 : memref<1000000x128xf32, #tpu.memory_space<hbm>>) target(%dma_start3A_31 : memref<64x128xf32, #tpu.memory_space<vmem>>) offsets(%dma_start3A_34 : memref<64xi32, #tpu.memory_space<vmem>>) semaphore(%arg7 : memref<!tpu.dma_semaphore, #tpu.memory_space<semaphore_mem>>)
    %dma_start3A_38 = arith.constant 2 : i32
    %dma_start3A_39 = arith.constant 0 : i32
    %dma_start3A_40 = arith.constant 2 : i32
    %dma_start3A_41 = arith.constant 0 : i32
    %dma_start3A_42 = arith.constant 0 : i32
    %dma_start3A_43 = arith.constant 0 : i32
    %dma_start3A_44 = tpu.memref_slice %arg6[%dma_start3A_39, %dma_start3A_41, %dma_start3A_42, %dma_start3A_43] : memref<2x5x64x128xf32, #tpu.memory_space<vmem>> -> memref<1x5x64x128xf32, #tpu.memory_space<vmem>>
    %dma_start3A_45 = tpu.memref_squeeze %dma_start3A_44 : memref<1x5x64x128xf32, #tpu.memory_space<vmem>> -> memref<5x64x128xf32, #tpu.memory_space<vmem>>
    %dma_start3A_46 = arith.constant 0 : i32
    %dma_start3A_47 = arith.constant 0 : i32
    %dma_start3A_48 = tpu.memref_slice %dma_start3A_45[%dma_start3A_40, %dma_start3A_46, %dma_start3A_47] : memref<5x64x128xf32, #tpu.memory_space<vmem>> -> memref<1x64x128xf32, #tpu.memory_space<vmem>>
    %dma_start3A_49 = tpu.memref_squeeze %dma_start3A_48 : memref<1x64x128xf32, #tpu.memory_space<vmem>> -> memref<64x128xf32, #tpu.memory_space<vmem>>
    %dma_start3A_50 = arith.constant 0 : i32
    %dma_start3A_51 = tpu.memref_slice %arg5[%dma_start3A_38, %dma_start3A_50] : memref<400x64xi32, #tpu.memory_space<vmem>> -> memref<1x64xi32, #tpu.memory_space<vmem>>
    %dma_start3A_52 = tpu.memref_squeeze %dma_start3A_51 : memref<1x64xi32, #tpu.memory_space<vmem>> -> memref<64xi32, #tpu.memory_space<vmem>>
    %dma_start3A_53 = arith.constant 0 : i32
    %dma_start3A_54 = arith.constant 0 : i32
    %dma_start3A_55 = tpu.memref_slice %arg2[%dma_start3A_53, %dma_start3A_54] : memref<1000000x128xf32, #tpu.memory_space<hbm>> -> memref<1000000x128xf32, #tpu.memory_space<hbm>>
    tpu.enqueue_indirect_dma source(%dma_start3A_55 : memref<1000000x128xf32, #tpu.memory_space<hbm>>) target(%dma_start3A_49 : memref<64x128xf32, #tpu.memory_space<vmem>>) offsets(%dma_start3A_52 : memref<64xi32, #tpu.memory_space<vmem>>) semaphore(%arg7 : memref<!tpu.dma_semaphore, #tpu.memory_space<semaphore_mem>>)
    %dma_start3A_56 = arith.constant 3 : i32
    %dma_start3A_57 = arith.constant 0 : i32
    %dma_start3A_58 = arith.constant 3 : i32
    %dma_start3A_59 = arith.constant 0 : i32
    %dma_start3A_60 = arith.constant 0 : i32
    %dma_start3A_61 = arith.constant 0 : i32
    %dma_start3A_62 = tpu.memref_slice %arg6[%dma_start3A_57, %dma_start3A_59, %dma_start3A_60, %dma_start3A_61] : memref<2x5x64x128xf32, #tpu.memory_space<vmem>> -> memref<1x5x64x128xf32, #tpu.memory_space<vmem>>
    %dma_start3A_63 = tpu.memref_squeeze %dma_start3A_62 : memref<1x5x64x128xf32, #tpu.memory_space<vmem>> -> memref<5x64x128xf32, #tpu.memory_space<vmem>>
    %dma_start3A_64 = arith.constant 0 : i32
    %dma_start3A_65 = arith.constant 0 : i32
    %dma_start3A_66 = tpu.memref_slice %dma_start3A_63[%dma_start3A_58, %dma_start3A_64, %dma_start3A_65] : memref<5x64x128xf32, #tpu.memory_space<vmem>> -> memref<1x64x128xf32, #tpu.memory_space<vmem>>
    %dma_start3A_67 = tpu.memref_squeeze %dma_start3A_66 : memref<1x64x128xf32, #tpu.memory_space<vmem>> -> memref<64x128xf32, #tpu.memory_space<vmem>>
    %dma_start3A_68 = arith.constant 0 : i32
    %dma_start3A_69 = tpu.memref_slice %arg5[%dma_start3A_56, %dma_start3A_68] : memref<400x64xi32, #tpu.memory_space<vmem>> -> memref<1x64xi32, #tpu.memory_space<vmem>>
    %dma_start3A_70 = tpu.memref_squeeze %dma_start3A_69 : memref<1x64xi32, #tpu.memory_space<vmem>> -> memref<64xi32, #tpu.memory_space<vmem>>
    %dma_start3A_71 = arith.constant 0 : i32
    %dma_start3A_72 = arith.constant 0 : i32
    %dma_start3A_73 = tpu.memref_slice %arg2[%dma_start3A_71, %dma_start3A_72] : memref<1000000x128xf32, #tpu.memory_space<hbm>> -> memref<1000000x128xf32, #tpu.memory_space<hbm>>
    tpu.enqueue_indirect_dma source(%dma_start3A_73 : memref<1000000x128xf32, #tpu.memory_space<hbm>>) target(%dma_start3A_67 : memref<64x128xf32, #tpu.memory_space<vmem>>) offsets(%dma_start3A_70 : memref<64xi32, #tpu.memory_space<vmem>>) semaphore(%arg7 : memref<!tpu.dma_semaphore, #tpu.memory_space<semaphore_mem>>)
    %dma_start3A_74 = arith.constant 4 : i32
    %dma_start3A_75 = arith.constant 0 : i32
    %dma_start3A_76 = arith.constant 4 : i32
    %dma_start3A_77 = arith.constant 0 : i32
    %dma_start3A_78 = arith.constant 0 : i32
    %dma_start3A_79 = arith.constant 0 : i32
    %dma_start3A_80 = tpu.memref_slice %arg6[%dma_start3A_75, %dma_start3A_77, %dma_start3A_78, %dma_start3A_79] : memref<2x5x64x128xf32, #tpu.memory_space<vmem>> -> memref<1x5x64x128xf32, #tpu.memory_space<vmem>>
    %dma_start3A_81 = tpu.memref_squeeze %dma_start3A_80 : memref<1x5x64x128xf32, #tpu.memory_space<vmem>> -> memref<5x64x128xf32, #tpu.memory_space<vmem>>
    %dma_start3A_82 = arith.constant 0 : i32
    %dma_start3A_83 = arith.constant 0 : i32
    %dma_start3A_84 = tpu.memref_slice %dma_start3A_81[%dma_start3A_76, %dma_start3A_82, %dma_start3A_83] : memref<5x64x128xf32, #tpu.memory_space<vmem>> -> memref<1x64x128xf32, #tpu.memory_space<vmem>>
    %dma_start3A_85 = tpu.memref_squeeze %dma_start3A_84 : memref<1x64x128xf32, #tpu.memory_space<vmem>> -> memref<64x128xf32, #tpu.memory_space<vmem>>
    %dma_start3A_86 = arith.constant 0 : i32
    %dma_start3A_87 = tpu.memref_slice %arg5[%dma_start3A_74, %dma_start3A_86] : memref<400x64xi32, #tpu.memory_space<vmem>> -> memref<1x64xi32, #tpu.memory_space<vmem>>
    %dma_start3A_88 = tpu.memref_squeeze %dma_start3A_87 : memref<1x64xi32, #tpu.memory_space<vmem>> -> memref<64xi32, #tpu.memory_space<vmem>>
    %dma_start3A_89 = arith.constant 0 : i32
    %dma_start3A_90 = arith.constant 0 : i32
    %dma_start3A_91 = tpu.memref_slice %arg2[%dma_start3A_89, %dma_start3A_90] : memref<1000000x128xf32, #tpu.memory_space<hbm>> -> memref<1000000x128xf32, #tpu.memory_space<hbm>>
    tpu.enqueue_indirect_dma source(%dma_start3A_91 : memref<1000000x128xf32, #tpu.memory_space<hbm>>) target(%dma_start3A_85 : memref<64x128xf32, #tpu.memory_space<vmem>>) offsets(%dma_start3A_88 : memref<64xi32, #tpu.memory_space<vmem>>) semaphore(%arg7 : memref<!tpu.dma_semaphore, #tpu.memory_space<semaphore_mem>>)
    %scan3A = arith.constant 0 : i32
    %scan3A_92 = arith.constant 0 : i32
    %scan3A_93 = arith.constant 40 : i32
    %scan3A_94 = arith.addi %scan3A_92, %scan3A_93 : i32
    %scan3A_95 = arith.constant 1 : i32
    scf.for %scan3A_226 = %scan3A_92 to %scan3A_94 step %scan3A_95  : i32 {
      %mul3A_227 = arith.constant 2 : i32
      %mul3A_228 = arith.muli %mul3A_227, %scan3A_226 : i32
      %add3A_229 = arith.constant 0 : i32
      %add3A_230 = arith.addi %mul3A_228, %add3A_229 : i32
      %gt3A = arith.constant 0 : i32
      %gt3A_231 = arith.cmpi sgt, %scan3A_226, %gt3A : i32
      %convert_element_type3A = arith.extui %gt3A_231 : i1 to i32
      %cond3A = arith.constant 0 : i32
      %cond3A_232 = arith.cmpi ne, %convert_element_type3A, %cond3A : i32
      scf.if %cond3A_232 {
        %dma_wait3A_1048 = arith.constant 0 : i32
        %dma_wait3A_1049 = arith.constant 0 : i32
        %dma_wait3A_1050 = arith.constant 0 : i32
        %dma_wait3A_1051 = arith.constant 0 : i32
        %dma_wait3A_1052 = arith.constant 0 : i32
        %dma_wait3A_1053 = tpu.memref_slice %arg6[%dma_wait3A_1048, %dma_wait3A_1050, %dma_wait3A_1051, %dma_wait3A_1052] : memref<2x5x64x128xf32, #tpu.memory_space<vmem>> -> memref<1x5x64x128xf32, #tpu.memory_space<vmem>>
        %dma_wait3A_1054 = tpu.memref_squeeze %dma_wait3A_1053 : memref<1x5x64x128xf32, #tpu.memory_space<vmem>> -> memref<5x64x128xf32, #tpu.memory_space<vmem>>
        %dma_wait3A_1055 = arith.constant 0 : i32
        %dma_wait3A_1056 = arith.constant 0 : i32
        %dma_wait3A_1057 = tpu.memref_slice %dma_wait3A_1054[%dma_wait3A_1049, %dma_wait3A_1055, %dma_wait3A_1056] : memref<5x64x128xf32, #tpu.memory_space<vmem>> -> memref<1x64x128xf32, #tpu.memory_space<vmem>>
        %dma_wait3A_1058 = tpu.memref_squeeze %dma_wait3A_1057 : memref<1x64x128xf32, #tpu.memory_space<vmem>> -> memref<64x128xf32, #tpu.memory_space<vmem>>
        %dma_wait3A_1059 = arith.constant 0 : i32
        %dma_wait3A_1060 = arith.constant 0 : i32
        %dma_wait3A_1061 = tpu.memref_slice %arg4[%dma_wait3A_1059, %dma_wait3A_1060] : memref<819200x128xf32, #tpu.memory_space<hbm>> -> memref<64x128xf32, #tpu.memory_space<hbm>>
        %dma_wait3A_1062 = arith.constant 0 : i32
        %dma_wait3A_1063 = arith.constant 0 : i32
        %dma_wait3A_1064 = tpu.memref_slice %arg4[%dma_wait3A_1062, %dma_wait3A_1063] : memref<819200x128xf32, #tpu.memory_space<hbm>> -> memref<64x128xf32, #tpu.memory_space<hbm>>
        %dma_wait3A_1065 = arith.constant 0 : i32
        %dma_wait3A_1066 = arith.constant 0 : i32
        %dma_wait3A_1067 = arith.constant 0 : i32
        %dma_wait3A_1068 = tpu.memref_slice %arg6[%dma_wait3A_1048, %dma_wait3A_1065, %dma_wait3A_1066, %dma_wait3A_1067] : memref<2x5x64x128xf32, #tpu.memory_space<vmem>> -> memref<1x5x64x128xf32, #tpu.memory_space<vmem>>
        %dma_wait3A_1069 = tpu.memref_squeeze %dma_wait3A_1068 : memref<1x5x64x128xf32, #tpu.memory_space<vmem>> -> memref<5x64x128xf32, #tpu.memory_space<vmem>>
        %dma_wait3A_1070 = arith.constant 0 : i32
        %dma_wait3A_1071 = arith.constant 0 : i32
        %dma_wait3A_1072 = tpu.memref_slice %dma_wait3A_1069[%dma_wait3A_1049, %dma_wait3A_1070, %dma_wait3A_1071] : memref<5x64x128xf32, #tpu.memory_space<vmem>> -> memref<1x64x128xf32, #tpu.memory_space<vmem>>
        %dma_wait3A_1073 = tpu.memref_squeeze %dma_wait3A_1072 : memref<1x64x128xf32, #tpu.memory_space<vmem>> -> memref<64x128xf32, #tpu.memory_space<vmem>>
        tpu.wait_dma2 semaphore(%arg10 : memref<!tpu.dma_semaphore, #tpu.memory_space<semaphore_mem>>) src(%dma_wait3A_1073 : memref<64x128xf32, #tpu.memory_space<vmem>>) dst(%dma_wait3A_1064 : memref<64x128xf32, #tpu.memory_space<hbm>>)
        %dma_wait3A_1074 = arith.constant 0 : i32
        %dma_wait3A_1075 = arith.constant 1 : i32
        %dma_wait3A_1076 = arith.constant 0 : i32
        %dma_wait3A_1077 = arith.constant 0 : i32
        %dma_wait3A_1078 = arith.constant 0 : i32
        %dma_wait3A_1079 = tpu.memref_slice %arg6[%dma_wait3A_1074, %dma_wait3A_1076, %dma_wait3A_1077, %dma_wait3A_1078] : memref<2x5x64x128xf32, #tpu.memory_space<vmem>> -> memref<1x5x64x128xf32, #tpu.memory_space<vmem>>
        %dma_wait3A_1080 = tpu.memref_squeeze %dma_wait3A_1079 : memref<1x5x64x128xf32, #tpu.memory_space<vmem>> -> memref<5x64x128xf32, #tpu.memory_space<vmem>>
        %dma_wait3A_1081 = arith.constant 0 : i32
        %dma_wait3A_1082 = arith.constant 0 : i32
        %dma_wait3A_1083 = tpu.memref_slice %dma_wait3A_1080[%dma_wait3A_1075, %dma_wait3A_1081, %dma_wait3A_1082] : memref<5x64x128xf32, #tpu.memory_space<vmem>> -> memref<1x64x128xf32, #tpu.memory_space<vmem>>
        %dma_wait3A_1084 = tpu.memref_squeeze %dma_wait3A_1083 : memref<1x64x128xf32, #tpu.memory_space<vmem>> -> memref<64x128xf32, #tpu.memory_space<vmem>>
        %dma_wait3A_1085 = arith.constant 0 : i32
        %dma_wait3A_1086 = arith.constant 0 : i32
        %dma_wait3A_1087 = tpu.memref_slice %arg4[%dma_wait3A_1085, %dma_wait3A_1086] : memref<819200x128xf32, #tpu.memory_space<hbm>> -> memref<64x128xf32, #tpu.memory_space<hbm>>
        %dma_wait3A_1088 = arith.constant 0 : i32
        %dma_wait3A_1089 = arith.constant 0 : i32
        %dma_wait3A_1090 = tpu.memref_slice %arg4[%dma_wait3A_1088, %dma_wait3A_1089] : memref<819200x128xf32, #tpu.memory_space<hbm>> -> memref<64x128xf32, #tpu.memory_space<hbm>>
        %dma_wait3A_1091 = arith.constant 0 : i32
        %dma_wait3A_1092 = arith.constant 0 : i32
        %dma_wait3A_1093 = arith.constant 0 : i32
        %dma_wait3A_1094 = tpu.memref_slice %arg6[%dma_wait3A_1074, %dma_wait3A_1091, %dma_wait3A_1092, %dma_wait3A_1093] : memref<2x5x64x128xf32, #tpu.memory_space<vmem>> -> memref<1x5x64x128xf32, #tpu.memory_space<vmem>>
        %dma_wait3A_1095 = tpu.memref_squeeze %dma_wait3A_1094 : memref<1x5x64x128xf32, #tpu.memory_space<vmem>> -> memref<5x64x128xf32, #tpu.memory_space<vmem>>
        %dma_wait3A_1096 = arith.constant 0 : i32
        %dma_wait3A_1097 = arith.constant 0 : i32
        %dma_wait3A_1098 = tpu.memref_slice %dma_wait3A_1095[%dma_wait3A_1075, %dma_wait3A_1096, %dma_wait3A_1097] : memref<5x64x128xf32, #tpu.memory_space<vmem>> -> memref<1x64x128xf32, #tpu.memory_space<vmem>>
        %dma_wait3A_1099 = tpu.memref_squeeze %dma_wait3A_1098 : memref<1x64x128xf32, #tpu.memory_space<vmem>> -> memref<64x128xf32, #tpu.memory_space<vmem>>
        tpu.wait_dma2 semaphore(%arg10 : memref<!tpu.dma_semaphore, #tpu.memory_space<semaphore_mem>>) src(%dma_wait3A_1099 : memref<64x128xf32, #tpu.memory_space<vmem>>) dst(%dma_wait3A_1090 : memref<64x128xf32, #tpu.memory_space<hbm>>)
        %dma_wait3A_1100 = arith.constant 0 : i32
        %dma_wait3A_1101 = arith.constant 2 : i32
        %dma_wait3A_1102 = arith.constant 0 : i32
        %dma_wait3A_1103 = arith.constant 0 : i32
        %dma_wait3A_1104 = arith.constant 0 : i32
        %dma_wait3A_1105 = tpu.memref_slice %arg6[%dma_wait3A_1100, %dma_wait3A_1102, %dma_wait3A_1103, %dma_wait3A_1104] : memref<2x5x64x128xf32, #tpu.memory_space<vmem>> -> memref<1x5x64x128xf32, #tpu.memory_space<vmem>>
        %dma_wait3A_1106 = tpu.memref_squeeze %dma_wait3A_1105 : memref<1x5x64x128xf32, #tpu.memory_space<vmem>> -> memref<5x64x128xf32, #tpu.memory_space<vmem>>
        %dma_wait3A_1107 = arith.constant 0 : i32
        %dma_wait3A_1108 = arith.constant 0 : i32
        %dma_wait3A_1109 = tpu.memref_slice %dma_wait3A_1106[%dma_wait3A_1101, %dma_wait3A_1107, %dma_wait3A_1108] : memref<5x64x128xf32, #tpu.memory_space<vmem>> -> memref<1x64x128xf32, #tpu.memory_space<vmem>>
        %dma_wait3A_1110 = tpu.memref_squeeze %dma_wait3A_1109 : memref<1x64x128xf32, #tpu.memory_space<vmem>> -> memref<64x128xf32, #tpu.memory_space<vmem>>
        %dma_wait3A_1111 = arith.constant 0 : i32
        %dma_wait3A_1112 = arith.constant 0 : i32
        %dma_wait3A_1113 = tpu.memref_slice %arg4[%dma_wait3A_1111, %dma_wait3A_1112] : memref<819200x128xf32, #tpu.memory_space<hbm>> -> memref<64x128xf32, #tpu.memory_space<hbm>>
        %dma_wait3A_1114 = arith.constant 0 : i32
        %dma_wait3A_1115 = arith.constant 0 : i32
        %dma_wait3A_1116 = tpu.memref_slice %arg4[%dma_wait3A_1114, %dma_wait3A_1115] : memref<819200x128xf32, #tpu.memory_space<hbm>> -> memref<64x128xf32, #tpu.memory_space<hbm>>
        %dma_wait3A_1117 = arith.constant 0 : i32
        %dma_wait3A_1118 = arith.constant 0 : i32
        %dma_wait3A_1119 = arith.constant 0 : i32
        %dma_wait3A_1120 = tpu.memref_slice %arg6[%dma_wait3A_1100, %dma_wait3A_1117, %dma_wait3A_1118, %dma_wait3A_1119] : memref<2x5x64x128xf32, #tpu.memory_space<vmem>> -> memref<1x5x64x128xf32, #tpu.memory_space<vmem>>
        %dma_wait3A_1121 = tpu.memref_squeeze %dma_wait3A_1120 : memref<1x5x64x128xf32, #tpu.memory_space<vmem>> -> memref<5x64x128xf32, #tpu.memory_space<vmem>>
        %dma_wait3A_1122 = arith.constant 0 : i32
        %dma_wait3A_1123 = arith.constant 0 : i32
        %dma_wait3A_1124 = tpu.memref_slice %dma_wait3A_1121[%dma_wait3A_1101, %dma_wait3A_1122, %dma_wait3A_1123] : memref<5x64x128xf32, #tpu.memory_space<vmem>> -> memref<1x64x128xf32, #tpu.memory_space<vmem>>
        %dma_wait3A_1125 = tpu.memref_squeeze %dma_wait3A_1124 : memref<1x64x128xf32, #tpu.memory_space<vmem>> -> memref<64x128xf32, #tpu.memory_space<vmem>>
        tpu.wait_dma2 semaphore(%arg10 : memref<!tpu.dma_semaphore, #tpu.memory_space<semaphore_mem>>) src(%dma_wait3A_1125 : memref<64x128xf32, #tpu.memory_space<vmem>>) dst(%dma_wait3A_1116 : memref<64x128xf32, #tpu.memory_space<hbm>>)
        %dma_wait3A_1126 = arith.constant 0 : i32
        %dma_wait3A_1127 = arith.constant 3 : i32
        %dma_wait3A_1128 = arith.constant 0 : i32
        %dma_wait3A_1129 = arith.constant 0 : i32
        %dma_wait3A_1130 = arith.constant 0 : i32
        %dma_wait3A_1131 = tpu.memref_slice %arg6[%dma_wait3A_1126, %dma_wait3A_1128, %dma_wait3A_1129, %dma_wait3A_1130] : memref<2x5x64x128xf32, #tpu.memory_space<vmem>> -> memref<1x5x64x128xf32, #tpu.memory_space<vmem>>
        %dma_wait3A_1132 = tpu.memref_squeeze %dma_wait3A_1131 : memref<1x5x64x128xf32, #tpu.memory_space<vmem>> -> memref<5x64x128xf32, #tpu.memory_space<vmem>>
        %dma_wait3A_1133 = arith.constant 0 : i32
        %dma_wait3A_1134 = arith.constant 0 : i32
        %dma_wait3A_1135 = tpu.memref_slice %dma_wait3A_1132[%dma_wait3A_1127, %dma_wait3A_1133, %dma_wait3A_1134] : memref<5x64x128xf32, #tpu.memory_space<vmem>> -> memref<1x64x128xf32, #tpu.memory_space<vmem>>
        %dma_wait3A_1136 = tpu.memref_squeeze %dma_wait3A_1135 : memref<1x64x128xf32, #tpu.memory_space<vmem>> -> memref<64x128xf32, #tpu.memory_space<vmem>>
        %dma_wait3A_1137 = arith.constant 0 : i32
        %dma_wait3A_1138 = arith.constant 0 : i32
        %dma_wait3A_1139 = tpu.memref_slice %arg4[%dma_wait3A_1137, %dma_wait3A_1138] : memref<819200x128xf32, #tpu.memory_space<hbm>> -> memref<64x128xf32, #tpu.memory_space<hbm>>
        %dma_wait3A_1140 = arith.constant 0 : i32
        %dma_wait3A_1141 = arith.constant 0 : i32
        %dma_wait3A_1142 = tpu.memref_slice %arg4[%dma_wait3A_1140, %dma_wait3A_1141] : memref<819200x128xf32, #tpu.memory_space<hbm>> -> memref<64x128xf32, #tpu.memory_space<hbm>>
        %dma_wait3A_1143 = arith.constant 0 : i32
        %dma_wait3A_1144 = arith.constant 0 : i32
        %dma_wait3A_1145 = arith.constant 0 : i32
        %dma_wait3A_1146 = tpu.memref_slice %arg6[%dma_wait3A_1126, %dma_wait3A_1143, %dma_wait3A_1144, %dma_wait3A_1145] : memref<2x5x64x128xf32, #tpu.memory_space<vmem>> -> memref<1x5x64x128xf32, #tpu.memory_space<vmem>>
        %dma_wait3A_1147 = tpu.memref_squeeze %dma_wait3A_1146 : memref<1x5x64x128xf32, #tpu.memory_space<vmem>> -> memref<5x64x128xf32, #tpu.memory_space<vmem>>
        %dma_wait3A_1148 = arith.constant 0 : i32
        %dma_wait3A_1149 = arith.constant 0 : i32
        %dma_wait3A_1150 = tpu.memref_slice %dma_wait3A_1147[%dma_wait3A_1127, %dma_wait3A_1148, %dma_wait3A_1149] : memref<5x64x128xf32, #tpu.memory_space<vmem>> -> memref<1x64x128xf32, #tpu.memory_space<vmem>>
        %dma_wait3A_1151 = tpu.memref_squeeze %dma_wait3A_1150 : memref<1x64x128xf32, #tpu.memory_space<vmem>> -> memref<64x128xf32, #tpu.memory_space<vmem>>
        tpu.wait_dma2 semaphore(%arg10 : memref<!tpu.dma_semaphore, #tpu.memory_space<semaphore_mem>>) src(%dma_wait3A_1151 : memref<64x128xf32, #tpu.memory_space<vmem>>) dst(%dma_wait3A_1142 : memref<64x128xf32, #tpu.memory_space<hbm>>)
        %dma_wait3A_1152 = arith.constant 0 : i32
        %dma_wait3A_1153 = arith.constant 4 : i32
        %dma_wait3A_1154 = arith.constant 0 : i32
        %dma_wait3A_1155 = arith.constant 0 : i32
        %dma_wait3A_1156 = arith.constant 0 : i32
        %dma_wait3A_1157 = tpu.memref_slice %arg6[%dma_wait3A_1152, %dma_wait3A_1154, %dma_wait3A_1155, %dma_wait3A_1156] : memref<2x5x64x128xf32, #tpu.memory_space<vmem>> -> memref<1x5x64x128xf32, #tpu.memory_space<vmem>>
        %dma_wait3A_1158 = tpu.memref_squeeze %dma_wait3A_1157 : memref<1x5x64x128xf32, #tpu.memory_space<vmem>> -> memref<5x64x128xf32, #tpu.memory_space<vmem>>
        %dma_wait3A_1159 = arith.constant 0 : i32
        %dma_wait3A_1160 = arith.constant 0 : i32
        %dma_wait3A_1161 = tpu.memref_slice %dma_wait3A_1158[%dma_wait3A_1153, %dma_wait3A_1159, %dma_wait3A_1160] : memref<5x64x128xf32, #tpu.memory_space<vmem>> -> memref<1x64x128xf32, #tpu.memory_space<vmem>>
        %dma_wait3A_1162 = tpu.memref_squeeze %dma_wait3A_1161 : memref<1x64x128xf32, #tpu.memory_space<vmem>> -> memref<64x128xf32, #tpu.memory_space<vmem>>
        %dma_wait3A_1163 = arith.constant 0 : i32
        %dma_wait3A_1164 = arith.constant 0 : i32
        %dma_wait3A_1165 = tpu.memref_slice %arg4[%dma_wait3A_1163, %dma_wait3A_1164] : memref<819200x128xf32, #tpu.memory_space<hbm>> -> memref<64x128xf32, #tpu.memory_space<hbm>>
        %dma_wait3A_1166 = arith.constant 0 : i32
        %dma_wait3A_1167 = arith.constant 0 : i32
        %dma_wait3A_1168 = tpu.memref_slice %arg4[%dma_wait3A_1166, %dma_wait3A_1167] : memref<819200x128xf32, #tpu.memory_space<hbm>> -> memref<64x128xf32, #tpu.memory_space<hbm>>
        %dma_wait3A_1169 = arith.constant 0 : i32
        %dma_wait3A_1170 = arith.constant 0 : i32
        %dma_wait3A_1171 = arith.constant 0 : i32
        %dma_wait3A_1172 = tpu.memref_slice %arg6[%dma_wait3A_1152, %dma_wait3A_1169, %dma_wait3A_1170, %dma_wait3A_1171] : memref<2x5x64x128xf32, #tpu.memory_space<vmem>> -> memref<1x5x64x128xf32, #tpu.memory_space<vmem>>
        %dma_wait3A_1173 = tpu.memref_squeeze %dma_wait3A_1172 : memref<1x5x64x128xf32, #tpu.memory_space<vmem>> -> memref<5x64x128xf32, #tpu.memory_space<vmem>>
        %dma_wait3A_1174 = arith.constant 0 : i32
        %dma_wait3A_1175 = arith.constant 0 : i32
        %dma_wait3A_1176 = tpu.memref_slice %dma_wait3A_1173[%dma_wait3A_1153, %dma_wait3A_1174, %dma_wait3A_1175] : memref<5x64x128xf32, #tpu.memory_space<vmem>> -> memref<1x64x128xf32, #tpu.memory_space<vmem>>
        %dma_wait3A_1177 = tpu.memref_squeeze %dma_wait3A_1176 : memref<1x64x128xf32, #tpu.memory_space<vmem>> -> memref<64x128xf32, #tpu.memory_space<vmem>>
        tpu.wait_dma2 semaphore(%arg10 : memref<!tpu.dma_semaphore, #tpu.memory_space<semaphore_mem>>) src(%dma_wait3A_1177 : memref<64x128xf32, #tpu.memory_space<vmem>>) dst(%dma_wait3A_1168 : memref<64x128xf32, #tpu.memory_space<hbm>>)
      } else {
      }
      %add3A_233 = arith.constant 1 : i32
      %add3A_234 = arith.addi %add3A_230, %add3A_233 : i32
      %mul3A_235 = arith.constant 5 : i32
      %mul3A_236 = arith.muli %add3A_234, %mul3A_235 : i32
      %add3A_237 = arith.constant 0 : i32
      %add3A_238 = arith.addi %mul3A_236, %add3A_237 : i32
      %dma_start3A_239 = arith.constant 1 : i32
      %dma_start3A_240 = arith.constant 0 : i32
      %dma_start3A_241 = arith.constant 0 : i32
      %dma_start3A_242 = arith.constant 0 : i32
      %dma_start3A_243 = arith.constant 0 : i32
      %dma_start3A_244 = tpu.memref_slice %arg6[%dma_start3A_239, %dma_start3A_241, %dma_start3A_242, %dma_start3A_243] : memref<2x5x64x128xf32, #tpu.memory_space<vmem>> -> memref<1x5x64x128xf32, #tpu.memory_space<vmem>>
      %dma_start3A_245 = tpu.memref_squeeze %dma_start3A_244 : memref<1x5x64x128xf32, #tpu.memory_space<vmem>> -> memref<5x64x128xf32, #tpu.memory_space<vmem>>
      %dma_start3A_246 = arith.constant 0 : i32
      %dma_start3A_247 = arith.constant 0 : i32
      %dma_start3A_248 = tpu.memref_slice %dma_start3A_245[%dma_start3A_240, %dma_start3A_246, %dma_start3A_247] : memref<5x64x128xf32, #tpu.memory_space<vmem>> -> memref<1x64x128xf32, #tpu.memory_space<vmem>>
      %dma_start3A_249 = tpu.memref_squeeze %dma_start3A_248 : memref<1x64x128xf32, #tpu.memory_space<vmem>> -> memref<64x128xf32, #tpu.memory_space<vmem>>
      %dma_start3A_250 = arith.constant 0 : i32
      %dma_start3A_251 = tpu.memref_slice %arg5[%add3A_238, %dma_start3A_250] : memref<400x64xi32, #tpu.memory_space<vmem>> -> memref<1x64xi32, #tpu.memory_space<vmem>>
      %dma_start3A_252 = tpu.memref_squeeze %dma_start3A_251 : memref<1x64xi32, #tpu.memory_space<vmem>> -> memref<64xi32, #tpu.memory_space<vmem>>
      %dma_start3A_253 = arith.constant 0 : i32
      %dma_start3A_254 = arith.constant 0 : i32
      %dma_start3A_255 = tpu.memref_slice %arg2[%dma_start3A_253, %dma_start3A_254] : memref<1000000x128xf32, #tpu.memory_space<hbm>> -> memref<1000000x128xf32, #tpu.memory_space<hbm>>
      tpu.enqueue_indirect_dma source(%dma_start3A_255 : memref<1000000x128xf32, #tpu.memory_space<hbm>>) target(%dma_start3A_249 : memref<64x128xf32, #tpu.memory_space<vmem>>) offsets(%dma_start3A_252 : memref<64xi32, #tpu.memory_space<vmem>>) semaphore(%arg8 : memref<!tpu.dma_semaphore, #tpu.memory_space<semaphore_mem>>)
      %mul3A_256 = arith.constant 5 : i32
      %mul3A_257 = arith.muli %add3A_234, %mul3A_256 : i32
      %add3A_258 = arith.constant 1 : i32
      %add3A_259 = arith.addi %mul3A_257, %add3A_258 : i32
      %dma_start3A_260 = arith.constant 1 : i32
      %dma_start3A_261 = arith.constant 1 : i32
      %dma_start3A_262 = arith.constant 0 : i32
      %dma_start3A_263 = arith.constant 0 : i32
      %dma_start3A_264 = arith.constant 0 : i32
      %dma_start3A_265 = tpu.memref_slice %arg6[%dma_start3A_260, %dma_start3A_262, %dma_start3A_263, %dma_start3A_264] : memref<2x5x64x128xf32, #tpu.memory_space<vmem>> -> memref<1x5x64x128xf32, #tpu.memory_space<vmem>>
      %dma_start3A_266 = tpu.memref_squeeze %dma_start3A_265 : memref<1x5x64x128xf32, #tpu.memory_space<vmem>> -> memref<5x64x128xf32, #tpu.memory_space<vmem>>
      %dma_start3A_267 = arith.constant 0 : i32
      %dma_start3A_268 = arith.constant 0 : i32
      %dma_start3A_269 = tpu.memref_slice %dma_start3A_266[%dma_start3A_261, %dma_start3A_267, %dma_start3A_268] : memref<5x64x128xf32, #tpu.memory_space<vmem>> -> memref<1x64x128xf32, #tpu.memory_space<vmem>>
      %dma_start3A_270 = tpu.memref_squeeze %dma_start3A_269 : memref<1x64x128xf32, #tpu.memory_space<vmem>> -> memref<64x128xf32, #tpu.memory_space<vmem>>
      %dma_start3A_271 = arith.constant 0 : i32
      %dma_start3A_272 = tpu.memref_slice %arg5[%add3A_259, %dma_start3A_271] : memref<400x64xi32, #tpu.memory_space<vmem>> -> memref<1x64xi32, #tpu.memory_space<vmem>>
      %dma_start3A_273 = tpu.memref_squeeze %dma_start3A_272 : memref<1x64xi32, #tpu.memory_space<vmem>> -> memref<64xi32, #tpu.memory_space<vmem>>
      %dma_start3A_274 = arith.constant 0 : i32
      %dma_start3A_275 = arith.constant 0 : i32
      %dma_start3A_276 = tpu.memref_slice %arg2[%dma_start3A_274, %dma_start3A_275] : memref<1000000x128xf32, #tpu.memory_space<hbm>> -> memref<1000000x128xf32, #tpu.memory_space<hbm>>
      tpu.enqueue_indirect_dma source(%dma_start3A_276 : memref<1000000x128xf32, #tpu.memory_space<hbm>>) target(%dma_start3A_270 : memref<64x128xf32, #tpu.memory_space<vmem>>) offsets(%dma_start3A_273 : memref<64xi32, #tpu.memory_space<vmem>>) semaphore(%arg8 : memref<!tpu.dma_semaphore, #tpu.memory_space<semaphore_mem>>)
      %mul3A_277 = arith.constant 5 : i32
      %mul3A_278 = arith.muli %add3A_234, %mul3A_277 : i32
      %add3A_279 = arith.constant 2 : i32
      %add3A_280 = arith.addi %mul3A_278, %add3A_279 : i32
      %dma_start3A_281 = arith.constant 1 : i32
      %dma_start3A_282 = arith.constant 2 : i32
      %dma_start3A_283 = arith.constant 0 : i32
      %dma_start3A_284 = arith.constant 0 : i32
      %dma_start3A_285 = arith.constant 0 : i32
      %dma_start3A_286 = tpu.memref_slice %arg6[%dma_start3A_281, %dma_start3A_283, %dma_start3A_284, %dma_start3A_285] : memref<2x5x64x128xf32, #tpu.memory_space<vmem>> -> memref<1x5x64x128xf32, #tpu.memory_space<vmem>>
      %dma_start3A_287 = tpu.memref_squeeze %dma_start3A_286 : memref<1x5x64x128xf32, #tpu.memory_space<vmem>> -> memref<5x64x128xf32, #tpu.memory_space<vmem>>
      %dma_start3A_288 = arith.constant 0 : i32
      %dma_start3A_289 = arith.constant 0 : i32
      %dma_start3A_290 = tpu.memref_slice %dma_start3A_287[%dma_start3A_282, %dma_start3A_288, %dma_start3A_289] : memref<5x64x128xf32, #tpu.memory_space<vmem>> -> memref<1x64x128xf32, #tpu.memory_space<vmem>>
      %dma_start3A_291 = tpu.memref_squeeze %dma_start3A_290 : memref<1x64x128xf32, #tpu.memory_space<vmem>> -> memref<64x128xf32, #tpu.memory_space<vmem>>
      %dma_start3A_292 = arith.constant 0 : i32
      %dma_start3A_293 = tpu.memref_slice %arg5[%add3A_280, %dma_start3A_292] : memref<400x64xi32, #tpu.memory_space<vmem>> -> memref<1x64xi32, #tpu.memory_space<vmem>>
      %dma_start3A_294 = tpu.memref_squeeze %dma_start3A_293 : memref<1x64xi32, #tpu.memory_space<vmem>> -> memref<64xi32, #tpu.memory_space<vmem>>
      %dma_start3A_295 = arith.constant 0 : i32
      %dma_start3A_296 = arith.constant 0 : i32
      %dma_start3A_297 = tpu.memref_slice %arg2[%dma_start3A_295, %dma_start3A_296] : memref<1000000x128xf32, #tpu.memory_space<hbm>> -> memref<1000000x128xf32, #tpu.memory_space<hbm>>
      tpu.enqueue_indirect_dma source(%dma_start3A_297 : memref<1000000x128xf32, #tpu.memory_space<hbm>>) target(%dma_start3A_291 : memref<64x128xf32, #tpu.memory_space<vmem>>) offsets(%dma_start3A_294 : memref<64xi32, #tpu.memory_space<vmem>>) semaphore(%arg8 : memref<!tpu.dma_semaphore, #tpu.memory_space<semaphore_mem>>)
      %mul3A_298 = arith.constant 5 : i32
      %mul3A_299 = arith.muli %add3A_234, %mul3A_298 : i32
      %add3A_300 = arith.constant 3 : i32
      %add3A_301 = arith.addi %mul3A_299, %add3A_300 : i32
      %dma_start3A_302 = arith.constant 1 : i32
      %dma_start3A_303 = arith.constant 3 : i32
      %dma_start3A_304 = arith.constant 0 : i32
      %dma_start3A_305 = arith.constant 0 : i32
      %dma_start3A_306 = arith.constant 0 : i32
      %dma_start3A_307 = tpu.memref_slice %arg6[%dma_start3A_302, %dma_start3A_304, %dma_start3A_305, %dma_start3A_306] : memref<2x5x64x128xf32, #tpu.memory_space<vmem>> -> memref<1x5x64x128xf32, #tpu.memory_space<vmem>>
      %dma_start3A_308 = tpu.memref_squeeze %dma_start3A_307 : memref<1x5x64x128xf32, #tpu.memory_space<vmem>> -> memref<5x64x128xf32, #tpu.memory_space<vmem>>
      %dma_start3A_309 = arith.constant 0 : i32
      %dma_start3A_310 = arith.constant 0 : i32
      %dma_start3A_311 = tpu.memref_slice %dma_start3A_308[%dma_start3A_303, %dma_start3A_309, %dma_start3A_310] : memref<5x64x128xf32, #tpu.memory_space<vmem>> -> memref<1x64x128xf32, #tpu.memory_space<vmem>>
      %dma_start3A_312 = tpu.memref_squeeze %dma_start3A_311 : memref<1x64x128xf32, #tpu.memory_space<vmem>> -> memref<64x128xf32, #tpu.memory_space<vmem>>
      %dma_start3A_313 = arith.constant 0 : i32
      %dma_start3A_314 = tpu.memref_slice %arg5[%add3A_301, %dma_start3A_313] : memref<400x64xi32, #tpu.memory_space<vmem>> -> memref<1x64xi32, #tpu.memory_space<vmem>>
      %dma_start3A_315 = tpu.memref_squeeze %dma_start3A_314 : memref<1x64xi32, #tpu.memory_space<vmem>> -> memref<64xi32, #tpu.memory_space<vmem>>
      %dma_start3A_316 = arith.constant 0 : i32
      %dma_start3A_317 = arith.constant 0 : i32
      %dma_start3A_318 = tpu.memref_slice %arg2[%dma_start3A_316, %dma_start3A_317] : memref<1000000x128xf32, #tpu.memory_space<hbm>> -> memref<1000000x128xf32, #tpu.memory_space<hbm>>
      tpu.enqueue_indirect_dma source(%dma_start3A_318 : memref<1000000x128xf32, #tpu.memory_space<hbm>>) target(%dma_start3A_312 : memref<64x128xf32, #tpu.memory_space<vmem>>) offsets(%dma_start3A_315 : memref<64xi32, #tpu.memory_space<vmem>>) semaphore(%arg8 : memref<!tpu.dma_semaphore, #tpu.memory_space<semaphore_mem>>)
      %mul3A_319 = arith.constant 5 : i32
      %mul3A_320 = arith.muli %add3A_234, %mul3A_319 : i32
      %add3A_321 = arith.constant 4 : i32
      %add3A_322 = arith.addi %mul3A_320, %add3A_321 : i32
      %dma_start3A_323 = arith.constant 1 : i32
      %dma_start3A_324 = arith.constant 4 : i32
      %dma_start3A_325 = arith.constant 0 : i32
      %dma_start3A_326 = arith.constant 0 : i32
      %dma_start3A_327 = arith.constant 0 : i32
      %dma_start3A_328 = tpu.memref_slice %arg6[%dma_start3A_323, %dma_start3A_325, %dma_start3A_326, %dma_start3A_327] : memref<2x5x64x128xf32, #tpu.memory_space<vmem>> -> memref<1x5x64x128xf32, #tpu.memory_space<vmem>>
      %dma_start3A_329 = tpu.memref_squeeze %dma_start3A_328 : memref<1x5x64x128xf32, #tpu.memory_space<vmem>> -> memref<5x64x128xf32, #tpu.memory_space<vmem>>
      %dma_start3A_330 = arith.constant 0 : i32
      %dma_start3A_331 = arith.constant 0 : i32
      %dma_start3A_332 = tpu.memref_slice %dma_start3A_329[%dma_start3A_324, %dma_start3A_330, %dma_start3A_331] : memref<5x64x128xf32, #tpu.memory_space<vmem>> -> memref<1x64x128xf32, #tpu.memory_space<vmem>>
      %dma_start3A_333 = tpu.memref_squeeze %dma_start3A_332 : memref<1x64x128xf32, #tpu.memory_space<vmem>> -> memref<64x128xf32, #tpu.memory_space<vmem>>
      %dma_start3A_334 = arith.constant 0 : i32
      %dma_start3A_335 = tpu.memref_slice %arg5[%add3A_322, %dma_start3A_334] : memref<400x64xi32, #tpu.memory_space<vmem>> -> memref<1x64xi32, #tpu.memory_space<vmem>>
      %dma_start3A_336 = tpu.memref_squeeze %dma_start3A_335 : memref<1x64xi32, #tpu.memory_space<vmem>> -> memref<64xi32, #tpu.memory_space<vmem>>
      %dma_start3A_337 = arith.constant 0 : i32
      %dma_start3A_338 = arith.constant 0 : i32
      %dma_start3A_339 = tpu.memref_slice %arg2[%dma_start3A_337, %dma_start3A_338] : memref<1000000x128xf32, #tpu.memory_space<hbm>> -> memref<1000000x128xf32, #tpu.memory_space<hbm>>
      tpu.enqueue_indirect_dma source(%dma_start3A_339 : memref<1000000x128xf32, #tpu.memory_space<hbm>>) target(%dma_start3A_333 : memref<64x128xf32, #tpu.memory_space<vmem>>) offsets(%dma_start3A_336 : memref<64xi32, #tpu.memory_space<vmem>>) semaphore(%arg8 : memref<!tpu.dma_semaphore, #tpu.memory_space<semaphore_mem>>)
      %dma_wait3A_340 = arith.constant 0 : i32
      %dma_wait3A_341 = arith.constant 0 : i32
      %dma_wait3A_342 = arith.constant 0 : i32
      %dma_wait3A_343 = arith.constant 0 : i32
      %dma_wait3A_344 = arith.constant 0 : i32
      %dma_wait3A_345 = tpu.memref_slice %arg6[%dma_wait3A_340, %dma_wait3A_342, %dma_wait3A_343, %dma_wait3A_344] : memref<2x5x64x128xf32, #tpu.memory_space<vmem>> -> memref<1x5x64x128xf32, #tpu.memory_space<vmem>>
      %dma_wait3A_346 = tpu.memref_squeeze %dma_wait3A_345 : memref<1x5x64x128xf32, #tpu.memory_space<vmem>> -> memref<5x64x128xf32, #tpu.memory_space<vmem>>
      %dma_wait3A_347 = arith.constant 0 : i32
      %dma_wait3A_348 = arith.constant 0 : i32
      %dma_wait3A_349 = tpu.memref_slice %dma_wait3A_346[%dma_wait3A_341, %dma_wait3A_347, %dma_wait3A_348] : memref<5x64x128xf32, #tpu.memory_space<vmem>> -> memref<1x64x128xf32, #tpu.memory_space<vmem>>
      %dma_wait3A_350 = tpu.memref_squeeze %dma_wait3A_349 : memref<1x64x128xf32, #tpu.memory_space<vmem>> -> memref<64x128xf32, #tpu.memory_space<vmem>>
      %dma_wait3A_351 = arith.constant 0 : i32
      %dma_wait3A_352 = arith.constant 0 : i32
      %dma_wait3A_353 = tpu.memref_slice %arg2[%dma_wait3A_351, %dma_wait3A_352] : memref<1000000x128xf32, #tpu.memory_space<hbm>> -> memref<64x128xf32, #tpu.memory_space<hbm>>
      %dma_wait3A_354 = arith.constant 0 : i32
      %dma_wait3A_355 = arith.constant 0 : i32
      %dma_wait3A_356 = arith.constant 0 : i32
      %dma_wait3A_357 = tpu.memref_slice %arg6[%dma_wait3A_340, %dma_wait3A_354, %dma_wait3A_355, %dma_wait3A_356] : memref<2x5x64x128xf32, #tpu.memory_space<vmem>> -> memref<1x5x64x128xf32, #tpu.memory_space<vmem>>
      %dma_wait3A_358 = tpu.memref_squeeze %dma_wait3A_357 : memref<1x5x64x128xf32, #tpu.memory_space<vmem>> -> memref<5x64x128xf32, #tpu.memory_space<vmem>>
      %dma_wait3A_359 = arith.constant 0 : i32
      %dma_wait3A_360 = arith.constant 0 : i32
      %dma_wait3A_361 = tpu.memref_slice %dma_wait3A_358[%dma_wait3A_341, %dma_wait3A_359, %dma_wait3A_360] : memref<5x64x128xf32, #tpu.memory_space<vmem>> -> memref<1x64x128xf32, #tpu.memory_space<vmem>>
      %dma_wait3A_362 = tpu.memref_squeeze %dma_wait3A_361 : memref<1x64x128xf32, #tpu.memory_space<vmem>> -> memref<64x128xf32, #tpu.memory_space<vmem>>
      %dma_wait3A_363 = arith.constant 0 : i32
      %dma_wait3A_364 = arith.constant 0 : i32
      %dma_wait3A_365 = tpu.memref_slice %arg2[%dma_wait3A_363, %dma_wait3A_364] : memref<1000000x128xf32, #tpu.memory_space<hbm>> -> memref<64x128xf32, #tpu.memory_space<hbm>>
      tpu.wait_dma2 semaphore(%arg7 : memref<!tpu.dma_semaphore, #tpu.memory_space<semaphore_mem>>) src(%dma_wait3A_365 : memref<64x128xf32, #tpu.memory_space<hbm>>) dst(%dma_wait3A_362 : memref<64x128xf32, #tpu.memory_space<vmem>>)
      %dma_wait3A_366 = arith.constant 0 : i32
      %dma_wait3A_367 = arith.constant 1 : i32
      %dma_wait3A_368 = arith.constant 0 : i32
      %dma_wait3A_369 = arith.constant 0 : i32
      %dma_wait3A_370 = arith.constant 0 : i32
      %dma_wait3A_371 = tpu.memref_slice %arg6[%dma_wait3A_366, %dma_wait3A_368, %dma_wait3A_369, %dma_wait3A_370] : memref<2x5x64x128xf32, #tpu.memory_space<vmem>> -> memref<1x5x64x128xf32, #tpu.memory_space<vmem>>
      %dma_wait3A_372 = tpu.memref_squeeze %dma_wait3A_371 : memref<1x5x64x128xf32, #tpu.memory_space<vmem>> -> memref<5x64x128xf32, #tpu.memory_space<vmem>>
      %dma_wait3A_373 = arith.constant 0 : i32
      %dma_wait3A_374 = arith.constant 0 : i32
      %dma_wait3A_375 = tpu.memref_slice %dma_wait3A_372[%dma_wait3A_367, %dma_wait3A_373, %dma_wait3A_374] : memref<5x64x128xf32, #tpu.memory_space<vmem>> -> memref<1x64x128xf32, #tpu.memory_space<vmem>>
      %dma_wait3A_376 = tpu.memref_squeeze %dma_wait3A_375 : memref<1x64x128xf32, #tpu.memory_space<vmem>> -> memref<64x128xf32, #tpu.memory_space<vmem>>
      %dma_wait3A_377 = arith.constant 0 : i32
      %dma_wait3A_378 = arith.constant 0 : i32
      %dma_wait3A_379 = tpu.memref_slice %arg2[%dma_wait3A_377, %dma_wait3A_378] : memref<1000000x128xf32, #tpu.memory_space<hbm>> -> memref<64x128xf32, #tpu.memory_space<hbm>>
      %dma_wait3A_380 = arith.constant 0 : i32
      %dma_wait3A_381 = arith.constant 0 : i32
      %dma_wait3A_382 = arith.constant 0 : i32
      %dma_wait3A_383 = tpu.memref_slice %arg6[%dma_wait3A_366, %dma_wait3A_380, %dma_wait3A_381, %dma_wait3A_382] : memref<2x5x64x128xf32, #tpu.memory_space<vmem>> -> memref<1x5x64x128xf32, #tpu.memory_space<vmem>>
      %dma_wait3A_384 = tpu.memref_squeeze %dma_wait3A_383 : memref<1x5x64x128xf32, #tpu.memory_space<vmem>> -> memref<5x64x128xf32, #tpu.memory_space<vmem>>
      %dma_wait3A_385 = arith.constant 0 : i32
      %dma_wait3A_386 = arith.constant 0 : i32
      %dma_wait3A_387 = tpu.memref_slice %dma_wait3A_384[%dma_wait3A_367, %dma_wait3A_385, %dma_wait3A_386] : memref<5x64x128xf32, #tpu.memory_space<vmem>> -> memref<1x64x128xf32, #tpu.memory_space<vmem>>
      %dma_wait3A_388 = tpu.memref_squeeze %dma_wait3A_387 : memref<1x64x128xf32, #tpu.memory_space<vmem>> -> memref<64x128xf32, #tpu.memory_space<vmem>>
      %dma_wait3A_389 = arith.constant 0 : i32
      %dma_wait3A_390 = arith.constant 0 : i32
      %dma_wait3A_391 = tpu.memref_slice %arg2[%dma_wait3A_389, %dma_wait3A_390] : memref<1000000x128xf32, #tpu.memory_space<hbm>> -> memref<64x128xf32, #tpu.memory_space<hbm>>
      tpu.wait_dma2 semaphore(%arg7 : memref<!tpu.dma_semaphore, #tpu.memory_space<semaphore_mem>>) src(%dma_wait3A_391 : memref<64x128xf32, #tpu.memory_space<hbm>>) dst(%dma_wait3A_388 : memref<64x128xf32, #tpu.memory_space<vmem>>)
      %dma_wait3A_392 = arith.constant 0 : i32
      %dma_wait3A_393 = arith.constant 2 : i32
      %dma_wait3A_394 = arith.constant 0 : i32
      %dma_wait3A_395 = arith.constant 0 : i32
      %dma_wait3A_396 = arith.constant 0 : i32
      %dma_wait3A_397 = tpu.memref_slice %arg6[%dma_wait3A_392, %dma_wait3A_394, %dma_wait3A_395, %dma_wait3A_396] : memref<2x5x64x128xf32, #tpu.memory_space<vmem>> -> memref<1x5x64x128xf32, #tpu.memory_space<vmem>>
      %dma_wait3A_398 = tpu.memref_squeeze %dma_wait3A_397 : memref<1x5x64x128xf32, #tpu.memory_space<vmem>> -> memref<5x64x128xf32, #tpu.memory_space<vmem>>
      %dma_wait3A_399 = arith.constant 0 : i32
      %dma_wait3A_400 = arith.constant 0 : i32
      %dma_wait3A_401 = tpu.memref_slice %dma_wait3A_398[%dma_wait3A_393, %dma_wait3A_399, %dma_wait3A_400] : memref<5x64x128xf32, #tpu.memory_space<vmem>> -> memref<1x64x128xf32, #tpu.memory_space<vmem>>
      %dma_wait3A_402 = tpu.memref_squeeze %dma_wait3A_401 : memref<1x64x128xf32, #tpu.memory_space<vmem>> -> memref<64x128xf32, #tpu.memory_space<vmem>>
      %dma_wait3A_403 = arith.constant 0 : i32
      %dma_wait3A_404 = arith.constant 0 : i32
      %dma_wait3A_405 = tpu.memref_slice %arg2[%dma_wait3A_403, %dma_wait3A_404] : memref<1000000x128xf32, #tpu.memory_space<hbm>> -> memref<64x128xf32, #tpu.memory_space<hbm>>
      %dma_wait3A_406 = arith.constant 0 : i32
      %dma_wait3A_407 = arith.constant 0 : i32
      %dma_wait3A_408 = arith.constant 0 : i32
      %dma_wait3A_409 = tpu.memref_slice %arg6[%dma_wait3A_392, %dma_wait3A_406, %dma_wait3A_407, %dma_wait3A_408] : memref<2x5x64x128xf32, #tpu.memory_space<vmem>> -> memref<1x5x64x128xf32, #tpu.memory_space<vmem>>
      %dma_wait3A_410 = tpu.memref_squeeze %dma_wait3A_409 : memref<1x5x64x128xf32, #tpu.memory_space<vmem>> -> memref<5x64x128xf32, #tpu.memory_space<vmem>>
      %dma_wait3A_411 = arith.constant 0 : i32
      %dma_wait3A_412 = arith.constant 0 : i32
      %dma_wait3A_413 = tpu.memref_slice %dma_wait3A_410[%dma_wait3A_393, %dma_wait3A_411, %dma_wait3A_412] : memref<5x64x128xf32, #tpu.memory_space<vmem>> -> memref<1x64x128xf32, #tpu.memory_space<vmem>>
      %dma_wait3A_414 = tpu.memref_squeeze %dma_wait3A_413 : memref<1x64x128xf32, #tpu.memory_space<vmem>> -> memref<64x128xf32, #tpu.memory_space<vmem>>
      %dma_wait3A_415 = arith.constant 0 : i32
      %dma_wait3A_416 = arith.constant 0 : i32
      %dma_wait3A_417 = tpu.memref_slice %arg2[%dma_wait3A_415, %dma_wait3A_416] : memref<1000000x128xf32, #tpu.memory_space<hbm>> -> memref<64x128xf32, #tpu.memory_space<hbm>>
      tpu.wait_dma2 semaphore(%arg7 : memref<!tpu.dma_semaphore, #tpu.memory_space<semaphore_mem>>) src(%dma_wait3A_417 : memref<64x128xf32, #tpu.memory_space<hbm>>) dst(%dma_wait3A_414 : memref<64x128xf32, #tpu.memory_space<vmem>>)
      %dma_wait3A_418 = arith.constant 0 : i32
      %dma_wait3A_419 = arith.constant 3 : i32
      %dma_wait3A_420 = arith.constant 0 : i32
      %dma_wait3A_421 = arith.constant 0 : i32
      %dma_wait3A_422 = arith.constant 0 : i32
      %dma_wait3A_423 = tpu.memref_slice %arg6[%dma_wait3A_418, %dma_wait3A_420, %dma_wait3A_421, %dma_wait3A_422] : memref<2x5x64x128xf32, #tpu.memory_space<vmem>> -> memref<1x5x64x128xf32, #tpu.memory_space<vmem>>
      %dma_wait3A_424 = tpu.memref_squeeze %dma_wait3A_423 : memref<1x5x64x128xf32, #tpu.memory_space<vmem>> -> memref<5x64x128xf32, #tpu.memory_space<vmem>>
      %dma_wait3A_425 = arith.constant 0 : i32
      %dma_wait3A_426 = arith.constant 0 : i32
      %dma_wait3A_427 = tpu.memref_slice %dma_wait3A_424[%dma_wait3A_419, %dma_wait3A_425, %dma_wait3A_426] : memref<5x64x128xf32, #tpu.memory_space<vmem>> -> memref<1x64x128xf32, #tpu.memory_space<vmem>>
      %dma_wait3A_428 = tpu.memref_squeeze %dma_wait3A_427 : memref<1x64x128xf32, #tpu.memory_space<vmem>> -> memref<64x128xf32, #tpu.memory_space<vmem>>
      %dma_wait3A_429 = arith.constant 0 : i32
      %dma_wait3A_430 = arith.constant 0 : i32
      %dma_wait3A_431 = tpu.memref_slice %arg2[%dma_wait3A_429, %dma_wait3A_430] : memref<1000000x128xf32, #tpu.memory_space<hbm>> -> memref<64x128xf32, #tpu.memory_space<hbm>>
      %dma_wait3A_432 = arith.constant 0 : i32
      %dma_wait3A_433 = arith.constant 0 : i32
      %dma_wait3A_434 = arith.constant 0 : i32
      %dma_wait3A_435 = tpu.memref_slice %arg6[%dma_wait3A_418, %dma_wait3A_432, %dma_wait3A_433, %dma_wait3A_434] : memref<2x5x64x128xf32, #tpu.memory_space<vmem>> -> memref<1x5x64x128xf32, #tpu.memory_space<vmem>>
      %dma_wait3A_436 = tpu.memref_squeeze %dma_wait3A_435 : memref<1x5x64x128xf32, #tpu.memory_space<vmem>> -> memref<5x64x128xf32, #tpu.memory_space<vmem>>
      %dma_wait3A_437 = arith.constant 0 : i32
      %dma_wait3A_438 = arith.constant 0 : i32
      %dma_wait3A_439 = tpu.memref_slice %dma_wait3A_436[%dma_wait3A_419, %dma_wait3A_437, %dma_wait3A_438] : memref<5x64x128xf32, #tpu.memory_space<vmem>> -> memref<1x64x128xf32, #tpu.memory_space<vmem>>
      %dma_wait3A_440 = tpu.memref_squeeze %dma_wait3A_439 : memref<1x64x128xf32, #tpu.memory_space<vmem>> -> memref<64x128xf32, #tpu.memory_space<vmem>>
      %dma_wait3A_441 = arith.constant 0 : i32
      %dma_wait3A_442 = arith.constant 0 : i32
      %dma_wait3A_443 = tpu.memref_slice %arg2[%dma_wait3A_441, %dma_wait3A_442] : memref<1000000x128xf32, #tpu.memory_space<hbm>> -> memref<64x128xf32, #tpu.memory_space<hbm>>
      tpu.wait_dma2 semaphore(%arg7 : memref<!tpu.dma_semaphore, #tpu.memory_space<semaphore_mem>>) src(%dma_wait3A_443 : memref<64x128xf32, #tpu.memory_space<hbm>>) dst(%dma_wait3A_440 : memref<64x128xf32, #tpu.memory_space<vmem>>)
      %dma_wait3A_444 = arith.constant 0 : i32
      %dma_wait3A_445 = arith.constant 4 : i32
      %dma_wait3A_446 = arith.constant 0 : i32
      %dma_wait3A_447 = arith.constant 0 : i32
      %dma_wait3A_448 = arith.constant 0 : i32
      %dma_wait3A_449 = tpu.memref_slice %arg6[%dma_wait3A_444, %dma_wait3A_446, %dma_wait3A_447, %dma_wait3A_448] : memref<2x5x64x128xf32, #tpu.memory_space<vmem>> -> memref<1x5x64x128xf32, #tpu.memory_space<vmem>>
      %dma_wait3A_450 = tpu.memref_squeeze %dma_wait3A_449 : memref<1x5x64x128xf32, #tpu.memory_space<vmem>> -> memref<5x64x128xf32, #tpu.memory_space<vmem>>
      %dma_wait3A_451 = arith.constant 0 : i32
      %dma_wait3A_452 = arith.constant 0 : i32
      %dma_wait3A_453 = tpu.memref_slice %dma_wait3A_450[%dma_wait3A_445, %dma_wait3A_451, %dma_wait3A_452] : memref<5x64x128xf32, #tpu.memory_space<vmem>> -> memref<1x64x128xf32, #tpu.memory_space<vmem>>
      %dma_wait3A_454 = tpu.memref_squeeze %dma_wait3A_453 : memref<1x64x128xf32, #tpu.memory_space<vmem>> -> memref<64x128xf32, #tpu.memory_space<vmem>>
      %dma_wait3A_455 = arith.constant 0 : i32
      %dma_wait3A_456 = arith.constant 0 : i32
      %dma_wait3A_457 = tpu.memref_slice %arg2[%dma_wait3A_455, %dma_wait3A_456] : memref<1000000x128xf32, #tpu.memory_space<hbm>> -> memref<64x128xf32, #tpu.memory_space<hbm>>
      %dma_wait3A_458 = arith.constant 0 : i32
      %dma_wait3A_459 = arith.constant 0 : i32
      %dma_wait3A_460 = arith.constant 0 : i32
      %dma_wait3A_461 = tpu.memref_slice %arg6[%dma_wait3A_444, %dma_wait3A_458, %dma_wait3A_459, %dma_wait3A_460] : memref<2x5x64x128xf32, #tpu.memory_space<vmem>> -> memref<1x5x64x128xf32, #tpu.memory_space<vmem>>
      %dma_wait3A_462 = tpu.memref_squeeze %dma_wait3A_461 : memref<1x5x64x128xf32, #tpu.memory_space<vmem>> -> memref<5x64x128xf32, #tpu.memory_space<vmem>>
      %dma_wait3A_463 = arith.constant 0 : i32
      %dma_wait3A_464 = arith.constant 0 : i32
      %dma_wait3A_465 = tpu.memref_slice %dma_wait3A_462[%dma_wait3A_445, %dma_wait3A_463, %dma_wait3A_464] : memref<5x64x128xf32, #tpu.memory_space<vmem>> -> memref<1x64x128xf32, #tpu.memory_space<vmem>>
      %dma_wait3A_466 = tpu.memref_squeeze %dma_wait3A_465 : memref<1x64x128xf32, #tpu.memory_space<vmem>> -> memref<64x128xf32, #tpu.memory_space<vmem>>
      %dma_wait3A_467 = arith.constant 0 : i32
      %dma_wait3A_468 = arith.constant 0 : i32
      %dma_wait3A_469 = tpu.memref_slice %arg2[%dma_wait3A_467, %dma_wait3A_468] : memref<1000000x128xf32, #tpu.memory_space<hbm>> -> memref<64x128xf32, #tpu.memory_space<hbm>>
      tpu.wait_dma2 semaphore(%arg7 : memref<!tpu.dma_semaphore, #tpu.memory_space<semaphore_mem>>) src(%dma_wait3A_469 : memref<64x128xf32, #tpu.memory_space<hbm>>) dst(%dma_wait3A_466 : memref<64x128xf32, #tpu.memory_space<vmem>>)
      %mul3A_470 = arith.constant 5 : i32
      %mul3A_471 = arith.muli %add3A_230, %mul3A_470 : i32
      %add3A_472 = arith.addi %mul3A_2, %mul3A_471 : i32
      %add3A_473 = arith.constant 0 : i32
      %add3A_474 = arith.addi %add3A_472, %add3A_473 : i32
      %mul3A_475 = arith.constant 64 : i32
      %mul3A_476 = arith.muli %add3A_474, %mul3A_475 : i32
      %dma_start3A_477 = arith.constant 0 : i32
      %dma_start3A_478 = arith.constant 0 : i32
      %dma_start3A_479 = arith.constant 0 : i32
      %dma_start3A_480 = arith.constant 0 : i32
      %dma_start3A_481 = arith.constant 0 : i32
      %dma_start3A_482 = tpu.memref_slice %arg6[%dma_start3A_477, %dma_start3A_479, %dma_start3A_480, %dma_start3A_481] : memref<2x5x64x128xf32, #tpu.memory_space<vmem>> -> memref<1x5x64x128xf32, #tpu.memory_space<vmem>>
      %dma_start3A_483 = tpu.memref_squeeze %dma_start3A_482 : memref<1x5x64x128xf32, #tpu.memory_space<vmem>> -> memref<5x64x128xf32, #tpu.memory_space<vmem>>
      %dma_start3A_484 = arith.constant 0 : i32
      %dma_start3A_485 = arith.constant 0 : i32
      %dma_start3A_486 = tpu.memref_slice %dma_start3A_483[%dma_start3A_478, %dma_start3A_484, %dma_start3A_485] : memref<5x64x128xf32, #tpu.memory_space<vmem>> -> memref<1x64x128xf32, #tpu.memory_space<vmem>>
      %dma_start3A_487 = tpu.memref_squeeze %dma_start3A_486 : memref<1x64x128xf32, #tpu.memory_space<vmem>> -> memref<64x128xf32, #tpu.memory_space<vmem>>
      %dma_start3A_488 = arith.constant 0 : i32
      %dma_start3A_489 = tpu.memref_slice %arg4[%mul3A_476, %dma_start3A_488] : memref<819200x128xf32, #tpu.memory_space<hbm>> -> memref<64x128xf32, #tpu.memory_space<hbm>>
      %dma_start3A_490 = arith.constant 0 : i32
      %dma_start3A_491 = tpu.memref_slice %arg4[%mul3A_476, %dma_start3A_490] : memref<819200x128xf32, #tpu.memory_space<hbm>> -> memref<64x128xf32, #tpu.memory_space<hbm>>
      %dma_start3A_492 = arith.constant 0 : i32
      %dma_start3A_493 = arith.constant 0 : i32
      %dma_start3A_494 = arith.constant 0 : i32
      %dma_start3A_495 = tpu.memref_slice %arg6[%dma_start3A_477, %dma_start3A_492, %dma_start3A_493, %dma_start3A_494] : memref<2x5x64x128xf32, #tpu.memory_space<vmem>> -> memref<1x5x64x128xf32, #tpu.memory_space<vmem>>
      %dma_start3A_496 = tpu.memref_squeeze %dma_start3A_495 : memref<1x5x64x128xf32, #tpu.memory_space<vmem>> -> memref<5x64x128xf32, #tpu.memory_space<vmem>>
      %dma_start3A_497 = arith.constant 0 : i32
      %dma_start3A_498 = arith.constant 0 : i32
      %dma_start3A_499 = tpu.memref_slice %dma_start3A_496[%dma_start3A_478, %dma_start3A_497, %dma_start3A_498] : memref<5x64x128xf32, #tpu.memory_space<vmem>> -> memref<1x64x128xf32, #tpu.memory_space<vmem>>
      %dma_start3A_500 = tpu.memref_squeeze %dma_start3A_499 : memref<1x64x128xf32, #tpu.memory_space<vmem>> -> memref<64x128xf32, #tpu.memory_space<vmem>>
      tpu.enqueue_dma source(%dma_start3A_500 : memref<64x128xf32, #tpu.memory_space<vmem>>) target(%dma_start3A_491 : memref<64x128xf32, #tpu.memory_space<hbm>>) target_semaphore(%arg9 : memref<!tpu.dma_semaphore, #tpu.memory_space<semaphore_mem>>)
      %mul3A_501 = arith.constant 5 : i32
      %mul3A_502 = arith.muli %add3A_230, %mul3A_501 : i32
      %add3A_503 = arith.addi %mul3A_2, %mul3A_502 : i32
      %add3A_504 = arith.constant 1 : i32
      %add3A_505 = arith.addi %add3A_503, %add3A_504 : i32
      %mul3A_506 = arith.constant 64 : i32
      %mul3A_507 = arith.muli %add3A_505, %mul3A_506 : i32
      %dma_start3A_508 = arith.constant 0 : i32
      %dma_start3A_509 = arith.constant 1 : i32
      %dma_start3A_510 = arith.constant 0 : i32
      %dma_start3A_511 = arith.constant 0 : i32
      %dma_start3A_512 = arith.constant 0 : i32
      %dma_start3A_513 = tpu.memref_slice %arg6[%dma_start3A_508, %dma_start3A_510, %dma_start3A_511, %dma_start3A_512] : memref<2x5x64x128xf32, #tpu.memory_space<vmem>> -> memref<1x5x64x128xf32, #tpu.memory_space<vmem>>
      %dma_start3A_514 = tpu.memref_squeeze %dma_start3A_513 : memref<1x5x64x128xf32, #tpu.memory_space<vmem>> -> memref<5x64x128xf32, #tpu.memory_space<vmem>>
      %dma_start3A_515 = arith.constant 0 : i32
      %dma_start3A_516 = arith.constant 0 : i32
      %dma_start3A_517 = tpu.memref_slice %dma_start3A_514[%dma_start3A_509, %dma_start3A_515, %dma_start3A_516] : memref<5x64x128xf32, #tpu.memory_space<vmem>> -> memref<1x64x128xf32, #tpu.memory_space<vmem>>
      %dma_start3A_518 = tpu.memref_squeeze %dma_start3A_517 : memref<1x64x128xf32, #tpu.memory_space<vmem>> -> memref<64x128xf32, #tpu.memory_space<vmem>>
      %dma_start3A_519 = arith.constant 0 : i32
      %dma_start3A_520 = tpu.memref_slice %arg4[%mul3A_507, %dma_start3A_519] : memref<819200x128xf32, #tpu.memory_space<hbm>> -> memref<64x128xf32, #tpu.memory_space<hbm>>
      %dma_start3A_521 = arith.constant 0 : i32
      %dma_start3A_522 = tpu.memref_slice %arg4[%mul3A_507, %dma_start3A_521] : memref<819200x128xf32, #tpu.memory_space<hbm>> -> memref<64x128xf32, #tpu.memory_space<hbm>>
      %dma_start3A_523 = arith.constant 0 : i32
      %dma_start3A_524 = arith.constant 0 : i32
      %dma_start3A_525 = arith.constant 0 : i32
      %dma_start3A_526 = tpu.memref_slice %arg6[%dma_start3A_508, %dma_start3A_523, %dma_start3A_524, %dma_start3A_525] : memref<2x5x64x128xf32, #tpu.memory_space<vmem>> -> memref<1x5x64x128xf32, #tpu.memory_space<vmem>>
      %dma_start3A_527 = tpu.memref_squeeze %dma_start3A_526 : memref<1x5x64x128xf32, #tpu.memory_space<vmem>> -> memref<5x64x128xf32, #tpu.memory_space<vmem>>
      %dma_start3A_528 = arith.constant 0 : i32
      %dma_start3A_529 = arith.constant 0 : i32
      %dma_start3A_530 = tpu.memref_slice %dma_start3A_527[%dma_start3A_509, %dma_start3A_528, %dma_start3A_529] : memref<5x64x128xf32, #tpu.memory_space<vmem>> -> memref<1x64x128xf32, #tpu.memory_space<vmem>>
      %dma_start3A_531 = tpu.memref_squeeze %dma_start3A_530 : memref<1x64x128xf32, #tpu.memory_space<vmem>> -> memref<64x128xf32, #tpu.memory_space<vmem>>
      tpu.enqueue_dma source(%dma_start3A_531 : memref<64x128xf32, #tpu.memory_space<vmem>>) target(%dma_start3A_522 : memref<64x128xf32, #tpu.memory_space<hbm>>) target_semaphore(%arg9 : memref<!tpu.dma_semaphore, #tpu.memory_space<semaphore_mem>>)
      %mul3A_532 = arith.constant 5 : i32
      %mul3A_533 = arith.muli %add3A_230, %mul3A_532 : i32
      %add3A_534 = arith.addi %mul3A_2, %mul3A_533 : i32
      %add3A_535 = arith.constant 2 : i32
      %add3A_536 = arith.addi %add3A_534, %add3A_535 : i32
      %mul3A_537 = arith.constant 64 : i32
      %mul3A_538 = arith.muli %add3A_536, %mul3A_537 : i32
      %dma_start3A_539 = arith.constant 0 : i32
      %dma_start3A_540 = arith.constant 2 : i32
      %dma_start3A_541 = arith.constant 0 : i32
      %dma_start3A_542 = arith.constant 0 : i32
      %dma_start3A_543 = arith.constant 0 : i32
      %dma_start3A_544 = tpu.memref_slice %arg6[%dma_start3A_539, %dma_start3A_541, %dma_start3A_542, %dma_start3A_543] : memref<2x5x64x128xf32, #tpu.memory_space<vmem>> -> memref<1x5x64x128xf32, #tpu.memory_space<vmem>>
      %dma_start3A_545 = tpu.memref_squeeze %dma_start3A_544 : memref<1x5x64x128xf32, #tpu.memory_space<vmem>> -> memref<5x64x128xf32, #tpu.memory_space<vmem>>
      %dma_start3A_546 = arith.constant 0 : i32
      %dma_start3A_547 = arith.constant 0 : i32
      %dma_start3A_548 = tpu.memref_slice %dma_start3A_545[%dma_start3A_540, %dma_start3A_546, %dma_start3A_547] : memref<5x64x128xf32, #tpu.memory_space<vmem>> -> memref<1x64x128xf32, #tpu.memory_space<vmem>>
      %dma_start3A_549 = tpu.memref_squeeze %dma_start3A_548 : memref<1x64x128xf32, #tpu.memory_space<vmem>> -> memref<64x128xf32, #tpu.memory_space<vmem>>
      %dma_start3A_550 = arith.constant 0 : i32
      %dma_start3A_551 = tpu.memref_slice %arg4[%mul3A_538, %dma_start3A_550] : memref<819200x128xf32, #tpu.memory_space<hbm>> -> memref<64x128xf32, #tpu.memory_space<hbm>>
      %dma_start3A_552 = arith.constant 0 : i32
      %dma_start3A_553 = tpu.memref_slice %arg4[%mul3A_538, %dma_start3A_552] : memref<819200x128xf32, #tpu.memory_space<hbm>> -> memref<64x128xf32, #tpu.memory_space<hbm>>
      %dma_start3A_554 = arith.constant 0 : i32
      %dma_start3A_555 = arith.constant 0 : i32
      %dma_start3A_556 = arith.constant 0 : i32
      %dma_start3A_557 = tpu.memref_slice %arg6[%dma_start3A_539, %dma_start3A_554, %dma_start3A_555, %dma_start3A_556] : memref<2x5x64x128xf32, #tpu.memory_space<vmem>> -> memref<1x5x64x128xf32, #tpu.memory_space<vmem>>
      %dma_start3A_558 = tpu.memref_squeeze %dma_start3A_557 : memref<1x5x64x128xf32, #tpu.memory_space<vmem>> -> memref<5x64x128xf32, #tpu.memory_space<vmem>>
      %dma_start3A_559 = arith.constant 0 : i32
      %dma_start3A_560 = arith.constant 0 : i32
      %dma_start3A_561 = tpu.memref_slice %dma_start3A_558[%dma_start3A_540, %dma_start3A_559, %dma_start3A_560] : memref<5x64x128xf32, #tpu.memory_space<vmem>> -> memref<1x64x128xf32, #tpu.memory_space<vmem>>
      %dma_start3A_562 = tpu.memref_squeeze %dma_start3A_561 : memref<1x64x128xf32, #tpu.memory_space<vmem>> -> memref<64x128xf32, #tpu.memory_space<vmem>>
      tpu.enqueue_dma source(%dma_start3A_562 : memref<64x128xf32, #tpu.memory_space<vmem>>) target(%dma_start3A_553 : memref<64x128xf32, #tpu.memory_space<hbm>>) target_semaphore(%arg9 : memref<!tpu.dma_semaphore, #tpu.memory_space<semaphore_mem>>)
      %mul3A_563 = arith.constant 5 : i32
      %mul3A_564 = arith.muli %add3A_230, %mul3A_563 : i32
      %add3A_565 = arith.addi %mul3A_2, %mul3A_564 : i32
      %add3A_566 = arith.constant 3 : i32
      %add3A_567 = arith.addi %add3A_565, %add3A_566 : i32
      %mul3A_568 = arith.constant 64 : i32
      %mul3A_569 = arith.muli %add3A_567, %mul3A_568 : i32
      %dma_start3A_570 = arith.constant 0 : i32
      %dma_start3A_571 = arith.constant 3 : i32
      %dma_start3A_572 = arith.constant 0 : i32
      %dma_start3A_573 = arith.constant 0 : i32
      %dma_start3A_574 = arith.constant 0 : i32
      %dma_start3A_575 = tpu.memref_slice %arg6[%dma_start3A_570, %dma_start3A_572, %dma_start3A_573, %dma_start3A_574] : memref<2x5x64x128xf32, #tpu.memory_space<vmem>> -> memref<1x5x64x128xf32, #tpu.memory_space<vmem>>
      %dma_start3A_576 = tpu.memref_squeeze %dma_start3A_575 : memref<1x5x64x128xf32, #tpu.memory_space<vmem>> -> memref<5x64x128xf32, #tpu.memory_space<vmem>>
      %dma_start3A_577 = arith.constant 0 : i32
      %dma_start3A_578 = arith.constant 0 : i32
      %dma_start3A_579 = tpu.memref_slice %dma_start3A_576[%dma_start3A_571, %dma_start3A_577, %dma_start3A_578] : memref<5x64x128xf32, #tpu.memory_space<vmem>> -> memref<1x64x128xf32, #tpu.memory_space<vmem>>
      %dma_start3A_580 = tpu.memref_squeeze %dma_start3A_579 : memref<1x64x128xf32, #tpu.memory_space<vmem>> -> memref<64x128xf32, #tpu.memory_space<vmem>>
      %dma_start3A_581 = arith.constant 0 : i32
      %dma_start3A_582 = tpu.memref_slice %arg4[%mul3A_569, %dma_start3A_581] : memref<819200x128xf32, #tpu.memory_space<hbm>> -> memref<64x128xf32, #tpu.memory_space<hbm>>
      %dma_start3A_583 = arith.constant 0 : i32
      %dma_start3A_584 = tpu.memref_slice %arg4[%mul3A_569, %dma_start3A_583] : memref<819200x128xf32, #tpu.memory_space<hbm>> -> memref<64x128xf32, #tpu.memory_space<hbm>>
      %dma_start3A_585 = arith.constant 0 : i32
      %dma_start3A_586 = arith.constant 0 : i32
      %dma_start3A_587 = arith.constant 0 : i32
      %dma_start3A_588 = tpu.memref_slice %arg6[%dma_start3A_570, %dma_start3A_585, %dma_start3A_586, %dma_start3A_587] : memref<2x5x64x128xf32, #tpu.memory_space<vmem>> -> memref<1x5x64x128xf32, #tpu.memory_space<vmem>>
      %dma_start3A_589 = tpu.memref_squeeze %dma_start3A_588 : memref<1x5x64x128xf32, #tpu.memory_space<vmem>> -> memref<5x64x128xf32, #tpu.memory_space<vmem>>
      %dma_start3A_590 = arith.constant 0 : i32
      %dma_start3A_591 = arith.constant 0 : i32
      %dma_start3A_592 = tpu.memref_slice %dma_start3A_589[%dma_start3A_571, %dma_start3A_590, %dma_start3A_591] : memref<5x64x128xf32, #tpu.memory_space<vmem>> -> memref<1x64x128xf32, #tpu.memory_space<vmem>>
      %dma_start3A_593 = tpu.memref_squeeze %dma_start3A_592 : memref<1x64x128xf32, #tpu.memory_space<vmem>> -> memref<64x128xf32, #tpu.memory_space<vmem>>
      tpu.enqueue_dma source(%dma_start3A_593 : memref<64x128xf32, #tpu.memory_space<vmem>>) target(%dma_start3A_584 : memref<64x128xf32, #tpu.memory_space<hbm>>) target_semaphore(%arg9 : memref<!tpu.dma_semaphore, #tpu.memory_space<semaphore_mem>>)
      %mul3A_594 = arith.constant 5 : i32
      %mul3A_595 = arith.muli %add3A_230, %mul3A_594 : i32
      %add3A_596 = arith.addi %mul3A_2, %mul3A_595 : i32
      %add3A_597 = arith.constant 4 : i32
      %add3A_598 = arith.addi %add3A_596, %add3A_597 : i32
      %mul3A_599 = arith.constant 64 : i32
      %mul3A_600 = arith.muli %add3A_598, %mul3A_599 : i32
      %dma_start3A_601 = arith.constant 0 : i32
      %dma_start3A_602 = arith.constant 4 : i32
      %dma_start3A_603 = arith.constant 0 : i32
      %dma_start3A_604 = arith.constant 0 : i32
      %dma_start3A_605 = arith.constant 0 : i32
      %dma_start3A_606 = tpu.memref_slice %arg6[%dma_start3A_601, %dma_start3A_603, %dma_start3A_604, %dma_start3A_605] : memref<2x5x64x128xf32, #tpu.memory_space<vmem>> -> memref<1x5x64x128xf32, #tpu.memory_space<vmem>>
      %dma_start3A_607 = tpu.memref_squeeze %dma_start3A_606 : memref<1x5x64x128xf32, #tpu.memory_space<vmem>> -> memref<5x64x128xf32, #tpu.memory_space<vmem>>
      %dma_start3A_608 = arith.constant 0 : i32
      %dma_start3A_609 = arith.constant 0 : i32
      %dma_start3A_610 = tpu.memref_slice %dma_start3A_607[%dma_start3A_602, %dma_start3A_608, %dma_start3A_609] : memref<5x64x128xf32, #tpu.memory_space<vmem>> -> memref<1x64x128xf32, #tpu.memory_space<vmem>>
      %dma_start3A_611 = tpu.memref_squeeze %dma_start3A_610 : memref<1x64x128xf32, #tpu.memory_space<vmem>> -> memref<64x128xf32, #tpu.memory_space<vmem>>
      %dma_start3A_612 = arith.constant 0 : i32
      %dma_start3A_613 = tpu.memref_slice %arg4[%mul3A_600, %dma_start3A_612] : memref<819200x128xf32, #tpu.memory_space<hbm>> -> memref<64x128xf32, #tpu.memory_space<hbm>>
      %dma_start3A_614 = arith.constant 0 : i32
      %dma_start3A_615 = tpu.memref_slice %arg4[%mul3A_600, %dma_start3A_614] : memref<819200x128xf32, #tpu.memory_space<hbm>> -> memref<64x128xf32, #tpu.memory_space<hbm>>
      %dma_start3A_616 = arith.constant 0 : i32
      %dma_start3A_617 = arith.constant 0 : i32
      %dma_start3A_618 = arith.constant 0 : i32
      %dma_start3A_619 = tpu.memref_slice %arg6[%dma_start3A_601, %dma_start3A_616, %dma_start3A_617, %dma_start3A_618] : memref<2x5x64x128xf32, #tpu.memory_space<vmem>> -> memref<1x5x64x128xf32, #tpu.memory_space<vmem>>
      %dma_start3A_620 = tpu.memref_squeeze %dma_start3A_619 : memref<1x5x64x128xf32, #tpu.memory_space<vmem>> -> memref<5x64x128xf32, #tpu.memory_space<vmem>>
      %dma_start3A_621 = arith.constant 0 : i32
      %dma_start3A_622 = arith.constant 0 : i32
      %dma_start3A_623 = tpu.memref_slice %dma_start3A_620[%dma_start3A_602, %dma_start3A_621, %dma_start3A_622] : memref<5x64x128xf32, #tpu.memory_space<vmem>> -> memref<1x64x128xf32, #tpu.memory_space<vmem>>
      %dma_start3A_624 = tpu.memref_squeeze %dma_start3A_623 : memref<1x64x128xf32, #tpu.memory_space<vmem>> -> memref<64x128xf32, #tpu.memory_space<vmem>>
      tpu.enqueue_dma source(%dma_start3A_624 : memref<64x128xf32, #tpu.memory_space<vmem>>) target(%dma_start3A_615 : memref<64x128xf32, #tpu.memory_space<hbm>>) target_semaphore(%arg9 : memref<!tpu.dma_semaphore, #tpu.memory_space<semaphore_mem>>)
      %mul3A_625 = arith.constant 2 : i32
      %mul3A_626 = arith.muli %mul3A_625, %scan3A_226 : i32
      %add3A_627 = arith.constant 1 : i32
      %add3A_628 = arith.addi %mul3A_626, %add3A_627 : i32
      %dma_wait3A_629 = arith.constant 0 : i32
      %dma_wait3A_630 = arith.constant 0 : i32
      %dma_wait3A_631 = arith.constant 0 : i32
      %dma_wait3A_632 = arith.constant 0 : i32
      %dma_wait3A_633 = arith.constant 0 : i32
      %dma_wait3A_634 = tpu.memref_slice %arg6[%dma_wait3A_629, %dma_wait3A_631, %dma_wait3A_632, %dma_wait3A_633] : memref<2x5x64x128xf32, #tpu.memory_space<vmem>> -> memref<1x5x64x128xf32, #tpu.memory_space<vmem>>
      %dma_wait3A_635 = tpu.memref_squeeze %dma_wait3A_634 : memref<1x5x64x128xf32, #tpu.memory_space<vmem>> -> memref<5x64x128xf32, #tpu.memory_space<vmem>>
      %dma_wait3A_636 = arith.constant 0 : i32
      %dma_wait3A_637 = arith.constant 0 : i32
      %dma_wait3A_638 = tpu.memref_slice %dma_wait3A_635[%dma_wait3A_630, %dma_wait3A_636, %dma_wait3A_637] : memref<5x64x128xf32, #tpu.memory_space<vmem>> -> memref<1x64x128xf32, #tpu.memory_space<vmem>>
      %dma_wait3A_639 = tpu.memref_squeeze %dma_wait3A_638 : memref<1x64x128xf32, #tpu.memory_space<vmem>> -> memref<64x128xf32, #tpu.memory_space<vmem>>
      %dma_wait3A_640 = arith.constant 0 : i32
      %dma_wait3A_641 = arith.constant 0 : i32
      %dma_wait3A_642 = tpu.memref_slice %arg4[%dma_wait3A_640, %dma_wait3A_641] : memref<819200x128xf32, #tpu.memory_space<hbm>> -> memref<64x128xf32, #tpu.memory_space<hbm>>
      %dma_wait3A_643 = arith.constant 0 : i32
      %dma_wait3A_644 = arith.constant 0 : i32
      %dma_wait3A_645 = tpu.memref_slice %arg4[%dma_wait3A_643, %dma_wait3A_644] : memref<819200x128xf32, #tpu.memory_space<hbm>> -> memref<64x128xf32, #tpu.memory_space<hbm>>
      %dma_wait3A_646 = arith.constant 0 : i32
      %dma_wait3A_647 = arith.constant 0 : i32
      %dma_wait3A_648 = arith.constant 0 : i32
      %dma_wait3A_649 = tpu.memref_slice %arg6[%dma_wait3A_629, %dma_wait3A_646, %dma_wait3A_647, %dma_wait3A_648] : memref<2x5x64x128xf32, #tpu.memory_space<vmem>> -> memref<1x5x64x128xf32, #tpu.memory_space<vmem>>
      %dma_wait3A_650 = tpu.memref_squeeze %dma_wait3A_649 : memref<1x5x64x128xf32, #tpu.memory_space<vmem>> -> memref<5x64x128xf32, #tpu.memory_space<vmem>>
      %dma_wait3A_651 = arith.constant 0 : i32
      %dma_wait3A_652 = arith.constant 0 : i32
      %dma_wait3A_653 = tpu.memref_slice %dma_wait3A_650[%dma_wait3A_630, %dma_wait3A_651, %dma_wait3A_652] : memref<5x64x128xf32, #tpu.memory_space<vmem>> -> memref<1x64x128xf32, #tpu.memory_space<vmem>>
      %dma_wait3A_654 = tpu.memref_squeeze %dma_wait3A_653 : memref<1x64x128xf32, #tpu.memory_space<vmem>> -> memref<64x128xf32, #tpu.memory_space<vmem>>
      tpu.wait_dma2 semaphore(%arg9 : memref<!tpu.dma_semaphore, #tpu.memory_space<semaphore_mem>>) src(%dma_wait3A_654 : memref<64x128xf32, #tpu.memory_space<vmem>>) dst(%dma_wait3A_645 : memref<64x128xf32, #tpu.memory_space<hbm>>)
      %dma_wait3A_655 = arith.constant 0 : i32
      %dma_wait3A_656 = arith.constant 1 : i32
      %dma_wait3A_657 = arith.constant 0 : i32
      %dma_wait3A_658 = arith.constant 0 : i32
      %dma_wait3A_659 = arith.constant 0 : i32
      %dma_wait3A_660 = tpu.memref_slice %arg6[%dma_wait3A_655, %dma_wait3A_657, %dma_wait3A_658, %dma_wait3A_659] : memref<2x5x64x128xf32, #tpu.memory_space<vmem>> -> memref<1x5x64x128xf32, #tpu.memory_space<vmem>>
      %dma_wait3A_661 = tpu.memref_squeeze %dma_wait3A_660 : memref<1x5x64x128xf32, #tpu.memory_space<vmem>> -> memref<5x64x128xf32, #tpu.memory_space<vmem>>
      %dma_wait3A_662 = arith.constant 0 : i32
      %dma_wait3A_663 = arith.constant 0 : i32
      %dma_wait3A_664 = tpu.memref_slice %dma_wait3A_661[%dma_wait3A_656, %dma_wait3A_662, %dma_wait3A_663] : memref<5x64x128xf32, #tpu.memory_space<vmem>> -> memref<1x64x128xf32, #tpu.memory_space<vmem>>
      %dma_wait3A_665 = tpu.memref_squeeze %dma_wait3A_664 : memref<1x64x128xf32, #tpu.memory_space<vmem>> -> memref<64x128xf32, #tpu.memory_space<vmem>>
      %dma_wait3A_666 = arith.constant 0 : i32
      %dma_wait3A_667 = arith.constant 0 : i32
      %dma_wait3A_668 = tpu.memref_slice %arg4[%dma_wait3A_666, %dma_wait3A_667] : memref<819200x128xf32, #tpu.memory_space<hbm>> -> memref<64x128xf32, #tpu.memory_space<hbm>>
      %dma_wait3A_669 = arith.constant 0 : i32
      %dma_wait3A_670 = arith.constant 0 : i32
      %dma_wait3A_671 = tpu.memref_slice %arg4[%dma_wait3A_669, %dma_wait3A_670] : memref<819200x128xf32, #tpu.memory_space<hbm>> -> memref<64x128xf32, #tpu.memory_space<hbm>>
      %dma_wait3A_672 = arith.constant 0 : i32
      %dma_wait3A_673 = arith.constant 0 : i32
      %dma_wait3A_674 = arith.constant 0 : i32
      %dma_wait3A_675 = tpu.memref_slice %arg6[%dma_wait3A_655, %dma_wait3A_672, %dma_wait3A_673, %dma_wait3A_674] : memref<2x5x64x128xf32, #tpu.memory_space<vmem>> -> memref<1x5x64x128xf32, #tpu.memory_space<vmem>>
      %dma_wait3A_676 = tpu.memref_squeeze %dma_wait3A_675 : memref<1x5x64x128xf32, #tpu.memory_space<vmem>> -> memref<5x64x128xf32, #tpu.memory_space<vmem>>
      %dma_wait3A_677 = arith.constant 0 : i32
      %dma_wait3A_678 = arith.constant 0 : i32
      %dma_wait3A_679 = tpu.memref_slice %dma_wait3A_676[%dma_wait3A_656, %dma_wait3A_677, %dma_wait3A_678] : memref<5x64x128xf32, #tpu.memory_space<vmem>> -> memref<1x64x128xf32, #tpu.memory_space<vmem>>
      %dma_wait3A_680 = tpu.memref_squeeze %dma_wait3A_679 : memref<1x64x128xf32, #tpu.memory_space<vmem>> -> memref<64x128xf32, #tpu.memory_space<vmem>>
      tpu.wait_dma2 semaphore(%arg9 : memref<!tpu.dma_semaphore, #tpu.memory_space<semaphore_mem>>) src(%dma_wait3A_680 : memref<64x128xf32, #tpu.memory_space<vmem>>) dst(%dma_wait3A_671 : memref<64x128xf32, #tpu.memory_space<hbm>>)
      %dma_wait3A_681 = arith.constant 0 : i32
      %dma_wait3A_682 = arith.constant 2 : i32
      %dma_wait3A_683 = arith.constant 0 : i32
      %dma_wait3A_684 = arith.constant 0 : i32
      %dma_wait3A_685 = arith.constant 0 : i32
      %dma_wait3A_686 = tpu.memref_slice %arg6[%dma_wait3A_681, %dma_wait3A_683, %dma_wait3A_684, %dma_wait3A_685] : memref<2x5x64x128xf32, #tpu.memory_space<vmem>> -> memref<1x5x64x128xf32, #tpu.memory_space<vmem>>
      %dma_wait3A_687 = tpu.memref_squeeze %dma_wait3A_686 : memref<1x5x64x128xf32, #tpu.memory_space<vmem>> -> memref<5x64x128xf32, #tpu.memory_space<vmem>>
      %dma_wait3A_688 = arith.constant 0 : i32
      %dma_wait3A_689 = arith.constant 0 : i32
      %dma_wait3A_690 = tpu.memref_slice %dma_wait3A_687[%dma_wait3A_682, %dma_wait3A_688, %dma_wait3A_689] : memref<5x64x128xf32, #tpu.memory_space<vmem>> -> memref<1x64x128xf32, #tpu.memory_space<vmem>>
      %dma_wait3A_691 = tpu.memref_squeeze %dma_wait3A_690 : memref<1x64x128xf32, #tpu.memory_space<vmem>> -> memref<64x128xf32, #tpu.memory_space<vmem>>
      %dma_wait3A_692 = arith.constant 0 : i32
      %dma_wait3A_693 = arith.constant 0 : i32
      %dma_wait3A_694 = tpu.memref_slice %arg4[%dma_wait3A_692, %dma_wait3A_693] : memref<819200x128xf32, #tpu.memory_space<hbm>> -> memref<64x128xf32, #tpu.memory_space<hbm>>
      %dma_wait3A_695 = arith.constant 0 : i32
      %dma_wait3A_696 = arith.constant 0 : i32
      %dma_wait3A_697 = tpu.memref_slice %arg4[%dma_wait3A_695, %dma_wait3A_696] : memref<819200x128xf32, #tpu.memory_space<hbm>> -> memref<64x128xf32, #tpu.memory_space<hbm>>
      %dma_wait3A_698 = arith.constant 0 : i32
      %dma_wait3A_699 = arith.constant 0 : i32
      %dma_wait3A_700 = arith.constant 0 : i32
      %dma_wait3A_701 = tpu.memref_slice %arg6[%dma_wait3A_681, %dma_wait3A_698, %dma_wait3A_699, %dma_wait3A_700] : memref<2x5x64x128xf32, #tpu.memory_space<vmem>> -> memref<1x5x64x128xf32, #tpu.memory_space<vmem>>
      %dma_wait3A_702 = tpu.memref_squeeze %dma_wait3A_701 : memref<1x5x64x128xf32, #tpu.memory_space<vmem>> -> memref<5x64x128xf32, #tpu.memory_space<vmem>>
      %dma_wait3A_703 = arith.constant 0 : i32
      %dma_wait3A_704 = arith.constant 0 : i32
      %dma_wait3A_705 = tpu.memref_slice %dma_wait3A_702[%dma_wait3A_682, %dma_wait3A_703, %dma_wait3A_704] : memref<5x64x128xf32, #tpu.memory_space<vmem>> -> memref<1x64x128xf32, #tpu.memory_space<vmem>>
      %dma_wait3A_706 = tpu.memref_squeeze %dma_wait3A_705 : memref<1x64x128xf32, #tpu.memory_space<vmem>> -> memref<64x128xf32, #tpu.memory_space<vmem>>
      tpu.wait_dma2 semaphore(%arg9 : memref<!tpu.dma_semaphore, #tpu.memory_space<semaphore_mem>>) src(%dma_wait3A_706 : memref<64x128xf32, #tpu.memory_space<vmem>>) dst(%dma_wait3A_697 : memref<64x128xf32, #tpu.memory_space<hbm>>)
      %dma_wait3A_707 = arith.constant 0 : i32
      %dma_wait3A_708 = arith.constant 3 : i32
      %dma_wait3A_709 = arith.constant 0 : i32
      %dma_wait3A_710 = arith.constant 0 : i32
      %dma_wait3A_711 = arith.constant 0 : i32
      %dma_wait3A_712 = tpu.memref_slice %arg6[%dma_wait3A_707, %dma_wait3A_709, %dma_wait3A_710, %dma_wait3A_711] : memref<2x5x64x128xf32, #tpu.memory_space<vmem>> -> memref<1x5x64x128xf32, #tpu.memory_space<vmem>>
      %dma_wait3A_713 = tpu.memref_squeeze %dma_wait3A_712 : memref<1x5x64x128xf32, #tpu.memory_space<vmem>> -> memref<5x64x128xf32, #tpu.memory_space<vmem>>
      %dma_wait3A_714 = arith.constant 0 : i32
      %dma_wait3A_715 = arith.constant 0 : i32
      %dma_wait3A_716 = tpu.memref_slice %dma_wait3A_713[%dma_wait3A_708, %dma_wait3A_714, %dma_wait3A_715] : memref<5x64x128xf32, #tpu.memory_space<vmem>> -> memref<1x64x128xf32, #tpu.memory_space<vmem>>
      %dma_wait3A_717 = tpu.memref_squeeze %dma_wait3A_716 : memref<1x64x128xf32, #tpu.memory_space<vmem>> -> memref<64x128xf32, #tpu.memory_space<vmem>>
      %dma_wait3A_718 = arith.constant 0 : i32
      %dma_wait3A_719 = arith.constant 0 : i32
      %dma_wait3A_720 = tpu.memref_slice %arg4[%dma_wait3A_718, %dma_wait3A_719] : memref<819200x128xf32, #tpu.memory_space<hbm>> -> memref<64x128xf32, #tpu.memory_space<hbm>>
      %dma_wait3A_721 = arith.constant 0 : i32
      %dma_wait3A_722 = arith.constant 0 : i32
      %dma_wait3A_723 = tpu.memref_slice %arg4[%dma_wait3A_721, %dma_wait3A_722] : memref<819200x128xf32, #tpu.memory_space<hbm>> -> memref<64x128xf32, #tpu.memory_space<hbm>>
      %dma_wait3A_724 = arith.constant 0 : i32
      %dma_wait3A_725 = arith.constant 0 : i32
      %dma_wait3A_726 = arith.constant 0 : i32
      %dma_wait3A_727 = tpu.memref_slice %arg6[%dma_wait3A_707, %dma_wait3A_724, %dma_wait3A_725, %dma_wait3A_726] : memref<2x5x64x128xf32, #tpu.memory_space<vmem>> -> memref<1x5x64x128xf32, #tpu.memory_space<vmem>>
      %dma_wait3A_728 = tpu.memref_squeeze %dma_wait3A_727 : memref<1x5x64x128xf32, #tpu.memory_space<vmem>> -> memref<5x64x128xf32, #tpu.memory_space<vmem>>
      %dma_wait3A_729 = arith.constant 0 : i32
      %dma_wait3A_730 = arith.constant 0 : i32
      %dma_wait3A_731 = tpu.memref_slice %dma_wait3A_728[%dma_wait3A_708, %dma_wait3A_729, %dma_wait3A_730] : memref<5x64x128xf32, #tpu.memory_space<vmem>> -> memref<1x64x128xf32, #tpu.memory_space<vmem>>
      %dma_wait3A_732 = tpu.memref_squeeze %dma_wait3A_731 : memref<1x64x128xf32, #tpu.memory_space<vmem>> -> memref<64x128xf32, #tpu.memory_space<vmem>>
      tpu.wait_dma2 semaphore(%arg9 : memref<!tpu.dma_semaphore, #tpu.memory_space<semaphore_mem>>) src(%dma_wait3A_732 : memref<64x128xf32, #tpu.memory_space<vmem>>) dst(%dma_wait3A_723 : memref<64x128xf32, #tpu.memory_space<hbm>>)
      %dma_wait3A_733 = arith.constant 0 : i32
      %dma_wait3A_734 = arith.constant 4 : i32
      %dma_wait3A_735 = arith.constant 0 : i32
      %dma_wait3A_736 = arith.constant 0 : i32
      %dma_wait3A_737 = arith.constant 0 : i32
      %dma_wait3A_738 = tpu.memref_slice %arg6[%dma_wait3A_733, %dma_wait3A_735, %dma_wait3A_736, %dma_wait3A_737] : memref<2x5x64x128xf32, #tpu.memory_space<vmem>> -> memref<1x5x64x128xf32, #tpu.memory_space<vmem>>
      %dma_wait3A_739 = tpu.memref_squeeze %dma_wait3A_738 : memref<1x5x64x128xf32, #tpu.memory_space<vmem>> -> memref<5x64x128xf32, #tpu.memory_space<vmem>>
      %dma_wait3A_740 = arith.constant 0 : i32
      %dma_wait3A_741 = arith.constant 0 : i32
      %dma_wait3A_742 = tpu.memref_slice %dma_wait3A_739[%dma_wait3A_734, %dma_wait3A_740, %dma_wait3A_741] : memref<5x64x128xf32, #tpu.memory_space<vmem>> -> memref<1x64x128xf32, #tpu.memory_space<vmem>>
      %dma_wait3A_743 = tpu.memref_squeeze %dma_wait3A_742 : memref<1x64x128xf32, #tpu.memory_space<vmem>> -> memref<64x128xf32, #tpu.memory_space<vmem>>
      %dma_wait3A_744 = arith.constant 0 : i32
      %dma_wait3A_745 = arith.constant 0 : i32
      %dma_wait3A_746 = tpu.memref_slice %arg4[%dma_wait3A_744, %dma_wait3A_745] : memref<819200x128xf32, #tpu.memory_space<hbm>> -> memref<64x128xf32, #tpu.memory_space<hbm>>
      %dma_wait3A_747 = arith.constant 0 : i32
      %dma_wait3A_748 = arith.constant 0 : i32
      %dma_wait3A_749 = tpu.memref_slice %arg4[%dma_wait3A_747, %dma_wait3A_748] : memref<819200x128xf32, #tpu.memory_space<hbm>> -> memref<64x128xf32, #tpu.memory_space<hbm>>
      %dma_wait3A_750 = arith.constant 0 : i32
      %dma_wait3A_751 = arith.constant 0 : i32
      %dma_wait3A_752 = arith.constant 0 : i32
      %dma_wait3A_753 = tpu.memref_slice %arg6[%dma_wait3A_733, %dma_wait3A_750, %dma_wait3A_751, %dma_wait3A_752] : memref<2x5x64x128xf32, #tpu.memory_space<vmem>> -> memref<1x5x64x128xf32, #tpu.memory_space<vmem>>
      %dma_wait3A_754 = tpu.memref_squeeze %dma_wait3A_753 : memref<1x5x64x128xf32, #tpu.memory_space<vmem>> -> memref<5x64x128xf32, #tpu.memory_space<vmem>>
      %dma_wait3A_755 = arith.constant 0 : i32
      %dma_wait3A_756 = arith.constant 0 : i32
      %dma_wait3A_757 = tpu.memref_slice %dma_wait3A_754[%dma_wait3A_734, %dma_wait3A_755, %dma_wait3A_756] : memref<5x64x128xf32, #tpu.memory_space<vmem>> -> memref<1x64x128xf32, #tpu.memory_space<vmem>>
      %dma_wait3A_758 = tpu.memref_squeeze %dma_wait3A_757 : memref<1x64x128xf32, #tpu.memory_space<vmem>> -> memref<64x128xf32, #tpu.memory_space<vmem>>
      tpu.wait_dma2 semaphore(%arg9 : memref<!tpu.dma_semaphore, #tpu.memory_space<semaphore_mem>>) src(%dma_wait3A_758 : memref<64x128xf32, #tpu.memory_space<vmem>>) dst(%dma_wait3A_749 : memref<64x128xf32, #tpu.memory_space<hbm>>)
      %lt3A = arith.constant 39 : i32
      %lt3A_759 = arith.cmpi slt, %scan3A_226, %lt3A : i32
      %convert_element_type3A_760 = arith.extui %lt3A_759 : i1 to i32
      %cond3A_761 = arith.constant 0 : i32
      %cond3A_762 = arith.cmpi ne, %convert_element_type3A_760, %cond3A_761 : i32
      scf.if %cond3A_762 {
        %add3A_1048 = arith.constant 1 : i32
        %add3A_1049 = arith.addi %add3A_628, %add3A_1048 : i32
        %mul3A_1050 = arith.constant 5 : i32
        %mul3A_1051 = arith.muli %add3A_1049, %mul3A_1050 : i32
        %add3A_1052 = arith.constant 0 : i32
        %add3A_1053 = arith.addi %mul3A_1051, %add3A_1052 : i32
        %dma_start3A_1054 = arith.constant 0 : i32
        %dma_start3A_1055 = arith.constant 0 : i32
        %dma_start3A_1056 = arith.constant 0 : i32
        %dma_start3A_1057 = arith.constant 0 : i32
        %dma_start3A_1058 = arith.constant 0 : i32
        %dma_start3A_1059 = tpu.memref_slice %arg6[%dma_start3A_1054, %dma_start3A_1056, %dma_start3A_1057, %dma_start3A_1058] : memref<2x5x64x128xf32, #tpu.memory_space<vmem>> -> memref<1x5x64x128xf32, #tpu.memory_space<vmem>>
        %dma_start3A_1060 = tpu.memref_squeeze %dma_start3A_1059 : memref<1x5x64x128xf32, #tpu.memory_space<vmem>> -> memref<5x64x128xf32, #tpu.memory_space<vmem>>
        %dma_start3A_1061 = arith.constant 0 : i32
        %dma_start3A_1062 = arith.constant 0 : i32
        %dma_start3A_1063 = tpu.memref_slice %dma_start3A_1060[%dma_start3A_1055, %dma_start3A_1061, %dma_start3A_1062] : memref<5x64x128xf32, #tpu.memory_space<vmem>> -> memref<1x64x128xf32, #tpu.memory_space<vmem>>
        %dma_start3A_1064 = tpu.memref_squeeze %dma_start3A_1063 : memref<1x64x128xf32, #tpu.memory_space<vmem>> -> memref<64x128xf32, #tpu.memory_space<vmem>>
        %dma_start3A_1065 = arith.constant 0 : i32
        %dma_start3A_1066 = tpu.memref_slice %arg5[%add3A_1053, %dma_start3A_1065] : memref<400x64xi32, #tpu.memory_space<vmem>> -> memref<1x64xi32, #tpu.memory_space<vmem>>
        %dma_start3A_1067 = tpu.memref_squeeze %dma_start3A_1066 : memref<1x64xi32, #tpu.memory_space<vmem>> -> memref<64xi32, #tpu.memory_space<vmem>>
        %dma_start3A_1068 = arith.constant 0 : i32
        %dma_start3A_1069 = arith.constant 0 : i32
        %dma_start3A_1070 = tpu.memref_slice %arg2[%dma_start3A_1068, %dma_start3A_1069] : memref<1000000x128xf32, #tpu.memory_space<hbm>> -> memref<1000000x128xf32, #tpu.memory_space<hbm>>
        tpu.enqueue_indirect_dma source(%dma_start3A_1070 : memref<1000000x128xf32, #tpu.memory_space<hbm>>) target(%dma_start3A_1064 : memref<64x128xf32, #tpu.memory_space<vmem>>) offsets(%dma_start3A_1067 : memref<64xi32, #tpu.memory_space<vmem>>) semaphore(%arg7 : memref<!tpu.dma_semaphore, #tpu.memory_space<semaphore_mem>>)
        %mul3A_1071 = arith.constant 5 : i32
        %mul3A_1072 = arith.muli %add3A_1049, %mul3A_1071 : i32
        %add3A_1073 = arith.constant 1 : i32
        %add3A_1074 = arith.addi %mul3A_1072, %add3A_1073 : i32
        %dma_start3A_1075 = arith.constant 0 : i32
        %dma_start3A_1076 = arith.constant 1 : i32
        %dma_start3A_1077 = arith.constant 0 : i32
        %dma_start3A_1078 = arith.constant 0 : i32
        %dma_start3A_1079 = arith.constant 0 : i32
        %dma_start3A_1080 = tpu.memref_slice %arg6[%dma_start3A_1075, %dma_start3A_1077, %dma_start3A_1078, %dma_start3A_1079] : memref<2x5x64x128xf32, #tpu.memory_space<vmem>> -> memref<1x5x64x128xf32, #tpu.memory_space<vmem>>
        %dma_start3A_1081 = tpu.memref_squeeze %dma_start3A_1080 : memref<1x5x64x128xf32, #tpu.memory_space<vmem>> -> memref<5x64x128xf32, #tpu.memory_space<vmem>>
        %dma_start3A_1082 = arith.constant 0 : i32
        %dma_start3A_1083 = arith.constant 0 : i32
        %dma_start3A_1084 = tpu.memref_slice %dma_start3A_1081[%dma_start3A_1076, %dma_start3A_1082, %dma_start3A_1083] : memref<5x64x128xf32, #tpu.memory_space<vmem>> -> memref<1x64x128xf32, #tpu.memory_space<vmem>>
        %dma_start3A_1085 = tpu.memref_squeeze %dma_start3A_1084 : memref<1x64x128xf32, #tpu.memory_space<vmem>> -> memref<64x128xf32, #tpu.memory_space<vmem>>
        %dma_start3A_1086 = arith.constant 0 : i32
        %dma_start3A_1087 = tpu.memref_slice %arg5[%add3A_1074, %dma_start3A_1086] : memref<400x64xi32, #tpu.memory_space<vmem>> -> memref<1x64xi32, #tpu.memory_space<vmem>>
        %dma_start3A_1088 = tpu.memref_squeeze %dma_start3A_1087 : memref<1x64xi32, #tpu.memory_space<vmem>> -> memref<64xi32, #tpu.memory_space<vmem>>
        %dma_start3A_1089 = arith.constant 0 : i32
        %dma_start3A_1090 = arith.constant 0 : i32
        %dma_start3A_1091 = tpu.memref_slice %arg2[%dma_start3A_1089, %dma_start3A_1090] : memref<1000000x128xf32, #tpu.memory_space<hbm>> -> memref<1000000x128xf32, #tpu.memory_space<hbm>>
        tpu.enqueue_indirect_dma source(%dma_start3A_1091 : memref<1000000x128xf32, #tpu.memory_space<hbm>>) target(%dma_start3A_1085 : memref<64x128xf32, #tpu.memory_space<vmem>>) offsets(%dma_start3A_1088 : memref<64xi32, #tpu.memory_space<vmem>>) semaphore(%arg7 : memref<!tpu.dma_semaphore, #tpu.memory_space<semaphore_mem>>)
        %mul3A_1092 = arith.constant 5 : i32
        %mul3A_1093 = arith.muli %add3A_1049, %mul3A_1092 : i32
        %add3A_1094 = arith.constant 2 : i32
        %add3A_1095 = arith.addi %mul3A_1093, %add3A_1094 : i32
        %dma_start3A_1096 = arith.constant 0 : i32
        %dma_start3A_1097 = arith.constant 2 : i32
        %dma_start3A_1098 = arith.constant 0 : i32
        %dma_start3A_1099 = arith.constant 0 : i32
        %dma_start3A_1100 = arith.constant 0 : i32
        %dma_start3A_1101 = tpu.memref_slice %arg6[%dma_start3A_1096, %dma_start3A_1098, %dma_start3A_1099, %dma_start3A_1100] : memref<2x5x64x128xf32, #tpu.memory_space<vmem>> -> memref<1x5x64x128xf32, #tpu.memory_space<vmem>>
        %dma_start3A_1102 = tpu.memref_squeeze %dma_start3A_1101 : memref<1x5x64x128xf32, #tpu.memory_space<vmem>> -> memref<5x64x128xf32, #tpu.memory_space<vmem>>
        %dma_start3A_1103 = arith.constant 0 : i32
        %dma_start3A_1104 = arith.constant 0 : i32
        %dma_start3A_1105 = tpu.memref_slice %dma_start3A_1102[%dma_start3A_1097, %dma_start3A_1103, %dma_start3A_1104] : memref<5x64x128xf32, #tpu.memory_space<vmem>> -> memref<1x64x128xf32, #tpu.memory_space<vmem>>
        %dma_start3A_1106 = tpu.memref_squeeze %dma_start3A_1105 : memref<1x64x128xf32, #tpu.memory_space<vmem>> -> memref<64x128xf32, #tpu.memory_space<vmem>>
        %dma_start3A_1107 = arith.constant 0 : i32
        %dma_start3A_1108 = tpu.memref_slice %arg5[%add3A_1095, %dma_start3A_1107] : memref<400x64xi32, #tpu.memory_space<vmem>> -> memref<1x64xi32, #tpu.memory_space<vmem>>
        %dma_start3A_1109 = tpu.memref_squeeze %dma_start3A_1108 : memref<1x64xi32, #tpu.memory_space<vmem>> -> memref<64xi32, #tpu.memory_space<vmem>>
        %dma_start3A_1110 = arith.constant 0 : i32
        %dma_start3A_1111 = arith.constant 0 : i32
        %dma_start3A_1112 = tpu.memref_slice %arg2[%dma_start3A_1110, %dma_start3A_1111] : memref<1000000x128xf32, #tpu.memory_space<hbm>> -> memref<1000000x128xf32, #tpu.memory_space<hbm>>
        tpu.enqueue_indirect_dma source(%dma_start3A_1112 : memref<1000000x128xf32, #tpu.memory_space<hbm>>) target(%dma_start3A_1106 : memref<64x128xf32, #tpu.memory_space<vmem>>) offsets(%dma_start3A_1109 : memref<64xi32, #tpu.memory_space<vmem>>) semaphore(%arg7 : memref<!tpu.dma_semaphore, #tpu.memory_space<semaphore_mem>>)
        %mul3A_1113 = arith.constant 5 : i32
        %mul3A_1114 = arith.muli %add3A_1049, %mul3A_1113 : i32
        %add3A_1115 = arith.constant 3 : i32
        %add3A_1116 = arith.addi %mul3A_1114, %add3A_1115 : i32
        %dma_start3A_1117 = arith.constant 0 : i32
        %dma_start3A_1118 = arith.constant 3 : i32
        %dma_start3A_1119 = arith.constant 0 : i32
        %dma_start3A_1120 = arith.constant 0 : i32
        %dma_start3A_1121 = arith.constant 0 : i32
        %dma_start3A_1122 = tpu.memref_slice %arg6[%dma_start3A_1117, %dma_start3A_1119, %dma_start3A_1120, %dma_start3A_1121] : memref<2x5x64x128xf32, #tpu.memory_space<vmem>> -> memref<1x5x64x128xf32, #tpu.memory_space<vmem>>
        %dma_start3A_1123 = tpu.memref_squeeze %dma_start3A_1122 : memref<1x5x64x128xf32, #tpu.memory_space<vmem>> -> memref<5x64x128xf32, #tpu.memory_space<vmem>>
        %dma_start3A_1124 = arith.constant 0 : i32
        %dma_start3A_1125 = arith.constant 0 : i32
        %dma_start3A_1126 = tpu.memref_slice %dma_start3A_1123[%dma_start3A_1118, %dma_start3A_1124, %dma_start3A_1125] : memref<5x64x128xf32, #tpu.memory_space<vmem>> -> memref<1x64x128xf32, #tpu.memory_space<vmem>>
        %dma_start3A_1127 = tpu.memref_squeeze %dma_start3A_1126 : memref<1x64x128xf32, #tpu.memory_space<vmem>> -> memref<64x128xf32, #tpu.memory_space<vmem>>
        %dma_start3A_1128 = arith.constant 0 : i32
        %dma_start3A_1129 = tpu.memref_slice %arg5[%add3A_1116, %dma_start3A_1128] : memref<400x64xi32, #tpu.memory_space<vmem>> -> memref<1x64xi32, #tpu.memory_space<vmem>>
        %dma_start3A_1130 = tpu.memref_squeeze %dma_start3A_1129 : memref<1x64xi32, #tpu.memory_space<vmem>> -> memref<64xi32, #tpu.memory_space<vmem>>
        %dma_start3A_1131 = arith.constant 0 : i32
        %dma_start3A_1132 = arith.constant 0 : i32
        %dma_start3A_1133 = tpu.memref_slice %arg2[%dma_start3A_1131, %dma_start3A_1132] : memref<1000000x128xf32, #tpu.memory_space<hbm>> -> memref<1000000x128xf32, #tpu.memory_space<hbm>>
        tpu.enqueue_indirect_dma source(%dma_start3A_1133 : memref<1000000x128xf32, #tpu.memory_space<hbm>>) target(%dma_start3A_1127 : memref<64x128xf32, #tpu.memory_space<vmem>>) offsets(%dma_start3A_1130 : memref<64xi32, #tpu.memory_space<vmem>>) semaphore(%arg7 : memref<!tpu.dma_semaphore, #tpu.memory_space<semaphore_mem>>)
        %mul3A_1134 = arith.constant 5 : i32
        %mul3A_1135 = arith.muli %add3A_1049, %mul3A_1134 : i32
        %add3A_1136 = arith.constant 4 : i32
        %add3A_1137 = arith.addi %mul3A_1135, %add3A_1136 : i32
        %dma_start3A_1138 = arith.constant 0 : i32
        %dma_start3A_1139 = arith.constant 4 : i32
        %dma_start3A_1140 = arith.constant 0 : i32
        %dma_start3A_1141 = arith.constant 0 : i32
        %dma_start3A_1142 = arith.constant 0 : i32
        %dma_start3A_1143 = tpu.memref_slice %arg6[%dma_start3A_1138, %dma_start3A_1140, %dma_start3A_1141, %dma_start3A_1142] : memref<2x5x64x128xf32, #tpu.memory_space<vmem>> -> memref<1x5x64x128xf32, #tpu.memory_space<vmem>>
        %dma_start3A_1144 = tpu.memref_squeeze %dma_start3A_1143 : memref<1x5x64x128xf32, #tpu.memory_space<vmem>> -> memref<5x64x128xf32, #tpu.memory_space<vmem>>
        %dma_start3A_1145 = arith.constant 0 : i32
        %dma_start3A_1146 = arith.constant 0 : i32
        %dma_start3A_1147 = tpu.memref_slice %dma_start3A_1144[%dma_start3A_1139, %dma_start3A_1145, %dma_start3A_1146] : memref<5x64x128xf32, #tpu.memory_space<vmem>> -> memref<1x64x128xf32, #tpu.memory_space<vmem>>
        %dma_start3A_1148 = tpu.memref_squeeze %dma_start3A_1147 : memref<1x64x128xf32, #tpu.memory_space<vmem>> -> memref<64x128xf32, #tpu.memory_space<vmem>>
        %dma_start3A_1149 = arith.constant 0 : i32
        %dma_start3A_1150 = tpu.memref_slice %arg5[%add3A_1137, %dma_start3A_1149] : memref<400x64xi32, #tpu.memory_space<vmem>> -> memref<1x64xi32, #tpu.memory_space<vmem>>
        %dma_start3A_1151 = tpu.memref_squeeze %dma_start3A_1150 : memref<1x64xi32, #tpu.memory_space<vmem>> -> memref<64xi32, #tpu.memory_space<vmem>>
        %dma_start3A_1152 = arith.constant 0 : i32
        %dma_start3A_1153 = arith.constant 0 : i32
        %dma_start3A_1154 = tpu.memref_slice %arg2[%dma_start3A_1152, %dma_start3A_1153] : memref<1000000x128xf32, #tpu.memory_space<hbm>> -> memref<1000000x128xf32, #tpu.memory_space<hbm>>
        tpu.enqueue_indirect_dma source(%dma_start3A_1154 : memref<1000000x128xf32, #tpu.memory_space<hbm>>) target(%dma_start3A_1148 : memref<64x128xf32, #tpu.memory_space<vmem>>) offsets(%dma_start3A_1151 : memref<64xi32, #tpu.memory_space<vmem>>) semaphore(%arg7 : memref<!tpu.dma_semaphore, #tpu.memory_space<semaphore_mem>>)
      } else {
      }
      %dma_wait3A_763 = arith.constant 0 : i32
      %dma_wait3A_764 = arith.constant 0 : i32
      %dma_wait3A_765 = arith.constant 0 : i32
      %dma_wait3A_766 = arith.constant 0 : i32
      %dma_wait3A_767 = arith.constant 0 : i32
      %dma_wait3A_768 = tpu.memref_slice %arg6[%dma_wait3A_763, %dma_wait3A_765, %dma_wait3A_766, %dma_wait3A_767] : memref<2x5x64x128xf32, #tpu.memory_space<vmem>> -> memref<1x5x64x128xf32, #tpu.memory_space<vmem>>
      %dma_wait3A_769 = tpu.memref_squeeze %dma_wait3A_768 : memref<1x5x64x128xf32, #tpu.memory_space<vmem>> -> memref<5x64x128xf32, #tpu.memory_space<vmem>>
      %dma_wait3A_770 = arith.constant 0 : i32
      %dma_wait3A_771 = arith.constant 0 : i32
      %dma_wait3A_772 = tpu.memref_slice %dma_wait3A_769[%dma_wait3A_764, %dma_wait3A_770, %dma_wait3A_771] : memref<5x64x128xf32, #tpu.memory_space<vmem>> -> memref<1x64x128xf32, #tpu.memory_space<vmem>>
      %dma_wait3A_773 = tpu.memref_squeeze %dma_wait3A_772 : memref<1x64x128xf32, #tpu.memory_space<vmem>> -> memref<64x128xf32, #tpu.memory_space<vmem>>
      %dma_wait3A_774 = arith.constant 0 : i32
      %dma_wait3A_775 = arith.constant 0 : i32
      %dma_wait3A_776 = tpu.memref_slice %arg2[%dma_wait3A_774, %dma_wait3A_775] : memref<1000000x128xf32, #tpu.memory_space<hbm>> -> memref<64x128xf32, #tpu.memory_space<hbm>>
      %dma_wait3A_777 = arith.constant 0 : i32
      %dma_wait3A_778 = arith.constant 0 : i32
      %dma_wait3A_779 = arith.constant 0 : i32
      %dma_wait3A_780 = tpu.memref_slice %arg6[%dma_wait3A_763, %dma_wait3A_777, %dma_wait3A_778, %dma_wait3A_779] : memref<2x5x64x128xf32, #tpu.memory_space<vmem>> -> memref<1x5x64x128xf32, #tpu.memory_space<vmem>>
      %dma_wait3A_781 = tpu.memref_squeeze %dma_wait3A_780 : memref<1x5x64x128xf32, #tpu.memory_space<vmem>> -> memref<5x64x128xf32, #tpu.memory_space<vmem>>
      %dma_wait3A_782 = arith.constant 0 : i32
      %dma_wait3A_783 = arith.constant 0 : i32
      %dma_wait3A_784 = tpu.memref_slice %dma_wait3A_781[%dma_wait3A_764, %dma_wait3A_782, %dma_wait3A_783] : memref<5x64x128xf32, #tpu.memory_space<vmem>> -> memref<1x64x128xf32, #tpu.memory_space<vmem>>
      %dma_wait3A_785 = tpu.memref_squeeze %dma_wait3A_784 : memref<1x64x128xf32, #tpu.memory_space<vmem>> -> memref<64x128xf32, #tpu.memory_space<vmem>>
      %dma_wait3A_786 = arith.constant 0 : i32
      %dma_wait3A_787 = arith.constant 0 : i32
      %dma_wait3A_788 = tpu.memref_slice %arg2[%dma_wait3A_786, %dma_wait3A_787] : memref<1000000x128xf32, #tpu.memory_space<hbm>> -> memref<64x128xf32, #tpu.memory_space<hbm>>
      tpu.wait_dma2 semaphore(%arg8 : memref<!tpu.dma_semaphore, #tpu.memory_space<semaphore_mem>>) src(%dma_wait3A_788 : memref<64x128xf32, #tpu.memory_space<hbm>>) dst(%dma_wait3A_785 : memref<64x128xf32, #tpu.memory_space<vmem>>)
      %dma_wait3A_789 = arith.constant 0 : i32
      %dma_wait3A_790 = arith.constant 1 : i32
      %dma_wait3A_791 = arith.constant 0 : i32
      %dma_wait3A_792 = arith.constant 0 : i32
      %dma_wait3A_793 = arith.constant 0 : i32
      %dma_wait3A_794 = tpu.memref_slice %arg6[%dma_wait3A_789, %dma_wait3A_791, %dma_wait3A_792, %dma_wait3A_793] : memref<2x5x64x128xf32, #tpu.memory_space<vmem>> -> memref<1x5x64x128xf32, #tpu.memory_space<vmem>>
      %dma_wait3A_795 = tpu.memref_squeeze %dma_wait3A_794 : memref<1x5x64x128xf32, #tpu.memory_space<vmem>> -> memref<5x64x128xf32, #tpu.memory_space<vmem>>
      %dma_wait3A_796 = arith.constant 0 : i32
      %dma_wait3A_797 = arith.constant 0 : i32
      %dma_wait3A_798 = tpu.memref_slice %dma_wait3A_795[%dma_wait3A_790, %dma_wait3A_796, %dma_wait3A_797] : memref<5x64x128xf32, #tpu.memory_space<vmem>> -> memref<1x64x128xf32, #tpu.memory_space<vmem>>
      %dma_wait3A_799 = tpu.memref_squeeze %dma_wait3A_798 : memref<1x64x128xf32, #tpu.memory_space<vmem>> -> memref<64x128xf32, #tpu.memory_space<vmem>>
      %dma_wait3A_800 = arith.constant 0 : i32
      %dma_wait3A_801 = arith.constant 0 : i32
      %dma_wait3A_802 = tpu.memref_slice %arg2[%dma_wait3A_800, %dma_wait3A_801] : memref<1000000x128xf32, #tpu.memory_space<hbm>> -> memref<64x128xf32, #tpu.memory_space<hbm>>
      %dma_wait3A_803 = arith.constant 0 : i32
      %dma_wait3A_804 = arith.constant 0 : i32
      %dma_wait3A_805 = arith.constant 0 : i32
      %dma_wait3A_806 = tpu.memref_slice %arg6[%dma_wait3A_789, %dma_wait3A_803, %dma_wait3A_804, %dma_wait3A_805] : memref<2x5x64x128xf32, #tpu.memory_space<vmem>> -> memref<1x5x64x128xf32, #tpu.memory_space<vmem>>
      %dma_wait3A_807 = tpu.memref_squeeze %dma_wait3A_806 : memref<1x5x64x128xf32, #tpu.memory_space<vmem>> -> memref<5x64x128xf32, #tpu.memory_space<vmem>>
      %dma_wait3A_808 = arith.constant 0 : i32
      %dma_wait3A_809 = arith.constant 0 : i32
      %dma_wait3A_810 = tpu.memref_slice %dma_wait3A_807[%dma_wait3A_790, %dma_wait3A_808, %dma_wait3A_809] : memref<5x64x128xf32, #tpu.memory_space<vmem>> -> memref<1x64x128xf32, #tpu.memory_space<vmem>>
      %dma_wait3A_811 = tpu.memref_squeeze %dma_wait3A_810 : memref<1x64x128xf32, #tpu.memory_space<vmem>> -> memref<64x128xf32, #tpu.memory_space<vmem>>
      %dma_wait3A_812 = arith.constant 0 : i32
      %dma_wait3A_813 = arith.constant 0 : i32
      %dma_wait3A_814 = tpu.memref_slice %arg2[%dma_wait3A_812, %dma_wait3A_813] : memref<1000000x128xf32, #tpu.memory_space<hbm>> -> memref<64x128xf32, #tpu.memory_space<hbm>>
      tpu.wait_dma2 semaphore(%arg8 : memref<!tpu.dma_semaphore, #tpu.memory_space<semaphore_mem>>) src(%dma_wait3A_814 : memref<64x128xf32, #tpu.memory_space<hbm>>) dst(%dma_wait3A_811 : memref<64x128xf32, #tpu.memory_space<vmem>>)
      %dma_wait3A_815 = arith.constant 0 : i32
      %dma_wait3A_816 = arith.constant 2 : i32
      %dma_wait3A_817 = arith.constant 0 : i32
      %dma_wait3A_818 = arith.constant 0 : i32
      %dma_wait3A_819 = arith.constant 0 : i32
      %dma_wait3A_820 = tpu.memref_slice %arg6[%dma_wait3A_815, %dma_wait3A_817, %dma_wait3A_818, %dma_wait3A_819] : memref<2x5x64x128xf32, #tpu.memory_space<vmem>> -> memref<1x5x64x128xf32, #tpu.memory_space<vmem>>
      %dma_wait3A_821 = tpu.memref_squeeze %dma_wait3A_820 : memref<1x5x64x128xf32, #tpu.memory_space<vmem>> -> memref<5x64x128xf32, #tpu.memory_space<vmem>>
      %dma_wait3A_822 = arith.constant 0 : i32
      %dma_wait3A_823 = arith.constant 0 : i32
      %dma_wait3A_824 = tpu.memref_slice %dma_wait3A_821[%dma_wait3A_816, %dma_wait3A_822, %dma_wait3A_823] : memref<5x64x128xf32, #tpu.memory_space<vmem>> -> memref<1x64x128xf32, #tpu.memory_space<vmem>>
      %dma_wait3A_825 = tpu.memref_squeeze %dma_wait3A_824 : memref<1x64x128xf32, #tpu.memory_space<vmem>> -> memref<64x128xf32, #tpu.memory_space<vmem>>
      %dma_wait3A_826 = arith.constant 0 : i32
      %dma_wait3A_827 = arith.constant 0 : i32
      %dma_wait3A_828 = tpu.memref_slice %arg2[%dma_wait3A_826, %dma_wait3A_827] : memref<1000000x128xf32, #tpu.memory_space<hbm>> -> memref<64x128xf32, #tpu.memory_space<hbm>>
      %dma_wait3A_829 = arith.constant 0 : i32
      %dma_wait3A_830 = arith.constant 0 : i32
      %dma_wait3A_831 = arith.constant 0 : i32
      %dma_wait3A_832 = tpu.memref_slice %arg6[%dma_wait3A_815, %dma_wait3A_829, %dma_wait3A_830, %dma_wait3A_831] : memref<2x5x64x128xf32, #tpu.memory_space<vmem>> -> memref<1x5x64x128xf32, #tpu.memory_space<vmem>>
      %dma_wait3A_833 = tpu.memref_squeeze %dma_wait3A_832 : memref<1x5x64x128xf32, #tpu.memory_space<vmem>> -> memref<5x64x128xf32, #tpu.memory_space<vmem>>
      %dma_wait3A_834 = arith.constant 0 : i32
      %dma_wait3A_835 = arith.constant 0 : i32
      %dma_wait3A_836 = tpu.memref_slice %dma_wait3A_833[%dma_wait3A_816, %dma_wait3A_834, %dma_wait3A_835] : memref<5x64x128xf32, #tpu.memory_space<vmem>> -> memref<1x64x128xf32, #tpu.memory_space<vmem>>
      %dma_wait3A_837 = tpu.memref_squeeze %dma_wait3A_836 : memref<1x64x128xf32, #tpu.memory_space<vmem>> -> memref<64x128xf32, #tpu.memory_space<vmem>>
      %dma_wait3A_838 = arith.constant 0 : i32
      %dma_wait3A_839 = arith.constant 0 : i32
      %dma_wait3A_840 = tpu.memref_slice %arg2[%dma_wait3A_838, %dma_wait3A_839] : memref<1000000x128xf32, #tpu.memory_space<hbm>> -> memref<64x128xf32, #tpu.memory_space<hbm>>
      tpu.wait_dma2 semaphore(%arg8 : memref<!tpu.dma_semaphore, #tpu.memory_space<semaphore_mem>>) src(%dma_wait3A_840 : memref<64x128xf32, #tpu.memory_space<hbm>>) dst(%dma_wait3A_837 : memref<64x128xf32, #tpu.memory_space<vmem>>)
      %dma_wait3A_841 = arith.constant 0 : i32
      %dma_wait3A_842 = arith.constant 3 : i32
      %dma_wait3A_843 = arith.constant 0 : i32
      %dma_wait3A_844 = arith.constant 0 : i32
      %dma_wait3A_845 = arith.constant 0 : i32
      %dma_wait3A_846 = tpu.memref_slice %arg6[%dma_wait3A_841, %dma_wait3A_843, %dma_wait3A_844, %dma_wait3A_845] : memref<2x5x64x128xf32, #tpu.memory_space<vmem>> -> memref<1x5x64x128xf32, #tpu.memory_space<vmem>>
      %dma_wait3A_847 = tpu.memref_squeeze %dma_wait3A_846 : memref<1x5x64x128xf32, #tpu.memory_space<vmem>> -> memref<5x64x128xf32, #tpu.memory_space<vmem>>
      %dma_wait3A_848 = arith.constant 0 : i32
      %dma_wait3A_849 = arith.constant 0 : i32
      %dma_wait3A_850 = tpu.memref_slice %dma_wait3A_847[%dma_wait3A_842, %dma_wait3A_848, %dma_wait3A_849] : memref<5x64x128xf32, #tpu.memory_space<vmem>> -> memref<1x64x128xf32, #tpu.memory_space<vmem>>
      %dma_wait3A_851 = tpu.memref_squeeze %dma_wait3A_850 : memref<1x64x128xf32, #tpu.memory_space<vmem>> -> memref<64x128xf32, #tpu.memory_space<vmem>>
      %dma_wait3A_852 = arith.constant 0 : i32
      %dma_wait3A_853 = arith.constant 0 : i32
      %dma_wait3A_854 = tpu.memref_slice %arg2[%dma_wait3A_852, %dma_wait3A_853] : memref<1000000x128xf32, #tpu.memory_space<hbm>> -> memref<64x128xf32, #tpu.memory_space<hbm>>
      %dma_wait3A_855 = arith.constant 0 : i32
      %dma_wait3A_856 = arith.constant 0 : i32
      %dma_wait3A_857 = arith.constant 0 : i32
      %dma_wait3A_858 = tpu.memref_slice %arg6[%dma_wait3A_841, %dma_wait3A_855, %dma_wait3A_856, %dma_wait3A_857] : memref<2x5x64x128xf32, #tpu.memory_space<vmem>> -> memref<1x5x64x128xf32, #tpu.memory_space<vmem>>
      %dma_wait3A_859 = tpu.memref_squeeze %dma_wait3A_858 : memref<1x5x64x128xf32, #tpu.memory_space<vmem>> -> memref<5x64x128xf32, #tpu.memory_space<vmem>>
      %dma_wait3A_860 = arith.constant 0 : i32
      %dma_wait3A_861 = arith.constant 0 : i32
      %dma_wait3A_862 = tpu.memref_slice %dma_wait3A_859[%dma_wait3A_842, %dma_wait3A_860, %dma_wait3A_861] : memref<5x64x128xf32, #tpu.memory_space<vmem>> -> memref<1x64x128xf32, #tpu.memory_space<vmem>>
      %dma_wait3A_863 = tpu.memref_squeeze %dma_wait3A_862 : memref<1x64x128xf32, #tpu.memory_space<vmem>> -> memref<64x128xf32, #tpu.memory_space<vmem>>
      %dma_wait3A_864 = arith.constant 0 : i32
      %dma_wait3A_865 = arith.constant 0 : i32
      %dma_wait3A_866 = tpu.memref_slice %arg2[%dma_wait3A_864, %dma_wait3A_865] : memref<1000000x128xf32, #tpu.memory_space<hbm>> -> memref<64x128xf32, #tpu.memory_space<hbm>>
      tpu.wait_dma2 semaphore(%arg8 : memref<!tpu.dma_semaphore, #tpu.memory_space<semaphore_mem>>) src(%dma_wait3A_866 : memref<64x128xf32, #tpu.memory_space<hbm>>) dst(%dma_wait3A_863 : memref<64x128xf32, #tpu.memory_space<vmem>>)
      %dma_wait3A_867 = arith.constant 0 : i32
      %dma_wait3A_868 = arith.constant 4 : i32
      %dma_wait3A_869 = arith.constant 0 : i32
      %dma_wait3A_870 = arith.constant 0 : i32
      %dma_wait3A_871 = arith.constant 0 : i32
      %dma_wait3A_872 = tpu.memref_slice %arg6[%dma_wait3A_867, %dma_wait3A_869, %dma_wait3A_870, %dma_wait3A_871] : memref<2x5x64x128xf32, #tpu.memory_space<vmem>> -> memref<1x5x64x128xf32, #tpu.memory_space<vmem>>
      %dma_wait3A_873 = tpu.memref_squeeze %dma_wait3A_872 : memref<1x5x64x128xf32, #tpu.memory_space<vmem>> -> memref<5x64x128xf32, #tpu.memory_space<vmem>>
      %dma_wait3A_874 = arith.constant 0 : i32
      %dma_wait3A_875 = arith.constant 0 : i32
      %dma_wait3A_876 = tpu.memref_slice %dma_wait3A_873[%dma_wait3A_868, %dma_wait3A_874, %dma_wait3A_875] : memref<5x64x128xf32, #tpu.memory_space<vmem>> -> memref<1x64x128xf32, #tpu.memory_space<vmem>>
      %dma_wait3A_877 = tpu.memref_squeeze %dma_wait3A_876 : memref<1x64x128xf32, #tpu.memory_space<vmem>> -> memref<64x128xf32, #tpu.memory_space<vmem>>
      %dma_wait3A_878 = arith.constant 0 : i32
      %dma_wait3A_879 = arith.constant 0 : i32
      %dma_wait3A_880 = tpu.memref_slice %arg2[%dma_wait3A_878, %dma_wait3A_879] : memref<1000000x128xf32, #tpu.memory_space<hbm>> -> memref<64x128xf32, #tpu.memory_space<hbm>>
      %dma_wait3A_881 = arith.constant 0 : i32
      %dma_wait3A_882 = arith.constant 0 : i32
      %dma_wait3A_883 = arith.constant 0 : i32
      %dma_wait3A_884 = tpu.memref_slice %arg6[%dma_wait3A_867, %dma_wait3A_881, %dma_wait3A_882, %dma_wait3A_883] : memref<2x5x64x128xf32, #tpu.memory_space<vmem>> -> memref<1x5x64x128xf32, #tpu.memory_space<vmem>>
      %dma_wait3A_885 = tpu.memref_squeeze %dma_wait3A_884 : memref<1x5x64x128xf32, #tpu.memory_space<vmem>> -> memref<5x64x128xf32, #tpu.memory_space<vmem>>
      %dma_wait3A_886 = arith.constant 0 : i32
      %dma_wait3A_887 = arith.constant 0 : i32
      %dma_wait3A_888 = tpu.memref_slice %dma_wait3A_885[%dma_wait3A_868, %dma_wait3A_886, %dma_wait3A_887] : memref<5x64x128xf32, #tpu.memory_space<vmem>> -> memref<1x64x128xf32, #tpu.memory_space<vmem>>
      %dma_wait3A_889 = tpu.memref_squeeze %dma_wait3A_888 : memref<1x64x128xf32, #tpu.memory_space<vmem>> -> memref<64x128xf32, #tpu.memory_space<vmem>>
      %dma_wait3A_890 = arith.constant 0 : i32
      %dma_wait3A_891 = arith.constant 0 : i32
      %dma_wait3A_892 = tpu.memref_slice %arg2[%dma_wait3A_890, %dma_wait3A_891] : memref<1000000x128xf32, #tpu.memory_space<hbm>> -> memref<64x128xf32, #tpu.memory_space<hbm>>
      tpu.wait_dma2 semaphore(%arg8 : memref<!tpu.dma_semaphore, #tpu.memory_space<semaphore_mem>>) src(%dma_wait3A_892 : memref<64x128xf32, #tpu.memory_space<hbm>>) dst(%dma_wait3A_889 : memref<64x128xf32, #tpu.memory_space<vmem>>)
      %mul3A_893 = arith.constant 5 : i32
      %mul3A_894 = arith.muli %add3A_628, %mul3A_893 : i32
      %add3A_895 = arith.addi %mul3A_2, %mul3A_894 : i32
      %add3A_896 = arith.constant 0 : i32
      %add3A_897 = arith.addi %add3A_895, %add3A_896 : i32
      %mul3A_898 = arith.constant 64 : i32
      %mul3A_899 = arith.muli %add3A_897, %mul3A_898 : i32
      %dma_start3A_900 = arith.constant 1 : i32
      %dma_start3A_901 = arith.constant 0 : i32
      %dma_start3A_902 = arith.constant 0 : i32
      %dma_start3A_903 = arith.constant 0 : i32
      %dma_start3A_904 = arith.constant 0 : i32
      %dma_start3A_905 = tpu.memref_slice %arg6[%dma_start3A_900, %dma_start3A_902, %dma_start3A_903, %dma_start3A_904] : memref<2x5x64x128xf32, #tpu.memory_space<vmem>> -> memref<1x5x64x128xf32, #tpu.memory_space<vmem>>
      %dma_start3A_906 = tpu.memref_squeeze %dma_start3A_905 : memref<1x5x64x128xf32, #tpu.memory_space<vmem>> -> memref<5x64x128xf32, #tpu.memory_space<vmem>>
      %dma_start3A_907 = arith.constant 0 : i32
      %dma_start3A_908 = arith.constant 0 : i32
      %dma_start3A_909 = tpu.memref_slice %dma_start3A_906[%dma_start3A_901, %dma_start3A_907, %dma_start3A_908] : memref<5x64x128xf32, #tpu.memory_space<vmem>> -> memref<1x64x128xf32, #tpu.memory_space<vmem>>
      %dma_start3A_910 = tpu.memref_squeeze %dma_start3A_909 : memref<1x64x128xf32, #tpu.memory_space<vmem>> -> memref<64x128xf32, #tpu.memory_space<vmem>>
      %dma_start3A_911 = arith.constant 0 : i32
      %dma_start3A_912 = tpu.memref_slice %arg4[%mul3A_899, %dma_start3A_911] : memref<819200x128xf32, #tpu.memory_space<hbm>> -> memref<64x128xf32, #tpu.memory_space<hbm>>
      %dma_start3A_913 = arith.constant 0 : i32
      %dma_start3A_914 = tpu.memref_slice %arg4[%mul3A_899, %dma_start3A_913] : memref<819200x128xf32, #tpu.memory_space<hbm>> -> memref<64x128xf32, #tpu.memory_space<hbm>>
      %dma_start3A_915 = arith.constant 0 : i32
      %dma_start3A_916 = arith.constant 0 : i32
      %dma_start3A_917 = arith.constant 0 : i32
      %dma_start3A_918 = tpu.memref_slice %arg6[%dma_start3A_900, %dma_start3A_915, %dma_start3A_916, %dma_start3A_917] : memref<2x5x64x128xf32, #tpu.memory_space<vmem>> -> memref<1x5x64x128xf32, #tpu.memory_space<vmem>>
      %dma_start3A_919 = tpu.memref_squeeze %dma_start3A_918 : memref<1x5x64x128xf32, #tpu.memory_space<vmem>> -> memref<5x64x128xf32, #tpu.memory_space<vmem>>
      %dma_start3A_920 = arith.constant 0 : i32
      %dma_start3A_921 = arith.constant 0 : i32
      %dma_start3A_922 = tpu.memref_slice %dma_start3A_919[%dma_start3A_901, %dma_start3A_920, %dma_start3A_921] : memref<5x64x128xf32, #tpu.memory_space<vmem>> -> memref<1x64x128xf32, #tpu.memory_space<vmem>>
      %dma_start3A_923 = tpu.memref_squeeze %dma_start3A_922 : memref<1x64x128xf32, #tpu.memory_space<vmem>> -> memref<64x128xf32, #tpu.memory_space<vmem>>
      tpu.enqueue_dma source(%dma_start3A_923 : memref<64x128xf32, #tpu.memory_space<vmem>>) target(%dma_start3A_914 : memref<64x128xf32, #tpu.memory_space<hbm>>) target_semaphore(%arg10 : memref<!tpu.dma_semaphore, #tpu.memory_space<semaphore_mem>>)
      %mul3A_924 = arith.constant 5 : i32
      %mul3A_925 = arith.muli %add3A_628, %mul3A_924 : i32
      %add3A_926 = arith.addi %mul3A_2, %mul3A_925 : i32
      %add3A_927 = arith.constant 1 : i32
      %add3A_928 = arith.addi %add3A_926, %add3A_927 : i32
      %mul3A_929 = arith.constant 64 : i32
      %mul3A_930 = arith.muli %add3A_928, %mul3A_929 : i32
      %dma_start3A_931 = arith.constant 1 : i32
      %dma_start3A_932 = arith.constant 1 : i32
      %dma_start3A_933 = arith.constant 0 : i32
      %dma_start3A_934 = arith.constant 0 : i32
      %dma_start3A_935 = arith.constant 0 : i32
      %dma_start3A_936 = tpu.memref_slice %arg6[%dma_start3A_931, %dma_start3A_933, %dma_start3A_934, %dma_start3A_935] : memref<2x5x64x128xf32, #tpu.memory_space<vmem>> -> memref<1x5x64x128xf32, #tpu.memory_space<vmem>>
      %dma_start3A_937 = tpu.memref_squeeze %dma_start3A_936 : memref<1x5x64x128xf32, #tpu.memory_space<vmem>> -> memref<5x64x128xf32, #tpu.memory_space<vmem>>
      %dma_start3A_938 = arith.constant 0 : i32
      %dma_start3A_939 = arith.constant 0 : i32
      %dma_start3A_940 = tpu.memref_slice %dma_start3A_937[%dma_start3A_932, %dma_start3A_938, %dma_start3A_939] : memref<5x64x128xf32, #tpu.memory_space<vmem>> -> memref<1x64x128xf32, #tpu.memory_space<vmem>>
      %dma_start3A_941 = tpu.memref_squeeze %dma_start3A_940 : memref<1x64x128xf32, #tpu.memory_space<vmem>> -> memref<64x128xf32, #tpu.memory_space<vmem>>
      %dma_start3A_942 = arith.constant 0 : i32
      %dma_start3A_943 = tpu.memref_slice %arg4[%mul3A_930, %dma_start3A_942] : memref<819200x128xf32, #tpu.memory_space<hbm>> -> memref<64x128xf32, #tpu.memory_space<hbm>>
      %dma_start3A_944 = arith.constant 0 : i32
      %dma_start3A_945 = tpu.memref_slice %arg4[%mul3A_930, %dma_start3A_944] : memref<819200x128xf32, #tpu.memory_space<hbm>> -> memref<64x128xf32, #tpu.memory_space<hbm>>
      %dma_start3A_946 = arith.constant 0 : i32
      %dma_start3A_947 = arith.constant 0 : i32
      %dma_start3A_948 = arith.constant 0 : i32
      %dma_start3A_949 = tpu.memref_slice %arg6[%dma_start3A_931, %dma_start3A_946, %dma_start3A_947, %dma_start3A_948] : memref<2x5x64x128xf32, #tpu.memory_space<vmem>> -> memref<1x5x64x128xf32, #tpu.memory_space<vmem>>
      %dma_start3A_950 = tpu.memref_squeeze %dma_start3A_949 : memref<1x5x64x128xf32, #tpu.memory_space<vmem>> -> memref<5x64x128xf32, #tpu.memory_space<vmem>>
      %dma_start3A_951 = arith.constant 0 : i32
      %dma_start3A_952 = arith.constant 0 : i32
      %dma_start3A_953 = tpu.memref_slice %dma_start3A_950[%dma_start3A_932, %dma_start3A_951, %dma_start3A_952] : memref<5x64x128xf32, #tpu.memory_space<vmem>> -> memref<1x64x128xf32, #tpu.memory_space<vmem>>
      %dma_start3A_954 = tpu.memref_squeeze %dma_start3A_953 : memref<1x64x128xf32, #tpu.memory_space<vmem>> -> memref<64x128xf32, #tpu.memory_space<vmem>>
      tpu.enqueue_dma source(%dma_start3A_954 : memref<64x128xf32, #tpu.memory_space<vmem>>) target(%dma_start3A_945 : memref<64x128xf32, #tpu.memory_space<hbm>>) target_semaphore(%arg10 : memref<!tpu.dma_semaphore, #tpu.memory_space<semaphore_mem>>)
      %mul3A_955 = arith.constant 5 : i32
      %mul3A_956 = arith.muli %add3A_628, %mul3A_955 : i32
      %add3A_957 = arith.addi %mul3A_2, %mul3A_956 : i32
      %add3A_958 = arith.constant 2 : i32
      %add3A_959 = arith.addi %add3A_957, %add3A_958 : i32
      %mul3A_960 = arith.constant 64 : i32
      %mul3A_961 = arith.muli %add3A_959, %mul3A_960 : i32
      %dma_start3A_962 = arith.constant 1 : i32
      %dma_start3A_963 = arith.constant 2 : i32
      %dma_start3A_964 = arith.constant 0 : i32
      %dma_start3A_965 = arith.constant 0 : i32
      %dma_start3A_966 = arith.constant 0 : i32
      %dma_start3A_967 = tpu.memref_slice %arg6[%dma_start3A_962, %dma_start3A_964, %dma_start3A_965, %dma_start3A_966] : memref<2x5x64x128xf32, #tpu.memory_space<vmem>> -> memref<1x5x64x128xf32, #tpu.memory_space<vmem>>
      %dma_start3A_968 = tpu.memref_squeeze %dma_start3A_967 : memref<1x5x64x128xf32, #tpu.memory_space<vmem>> -> memref<5x64x128xf32, #tpu.memory_space<vmem>>
      %dma_start3A_969 = arith.constant 0 : i32
      %dma_start3A_970 = arith.constant 0 : i32
      %dma_start3A_971 = tpu.memref_slice %dma_start3A_968[%dma_start3A_963, %dma_start3A_969, %dma_start3A_970] : memref<5x64x128xf32, #tpu.memory_space<vmem>> -> memref<1x64x128xf32, #tpu.memory_space<vmem>>
      %dma_start3A_972 = tpu.memref_squeeze %dma_start3A_971 : memref<1x64x128xf32, #tpu.memory_space<vmem>> -> memref<64x128xf32, #tpu.memory_space<vmem>>
      %dma_start3A_973 = arith.constant 0 : i32
      %dma_start3A_974 = tpu.memref_slice %arg4[%mul3A_961, %dma_start3A_973] : memref<819200x128xf32, #tpu.memory_space<hbm>> -> memref<64x128xf32, #tpu.memory_space<hbm>>
      %dma_start3A_975 = arith.constant 0 : i32
      %dma_start3A_976 = tpu.memref_slice %arg4[%mul3A_961, %dma_start3A_975] : memref<819200x128xf32, #tpu.memory_space<hbm>> -> memref<64x128xf32, #tpu.memory_space<hbm>>
      %dma_start3A_977 = arith.constant 0 : i32
      %dma_start3A_978 = arith.constant 0 : i32
      %dma_start3A_979 = arith.constant 0 : i32
      %dma_start3A_980 = tpu.memref_slice %arg6[%dma_start3A_962, %dma_start3A_977, %dma_start3A_978, %dma_start3A_979] : memref<2x5x64x128xf32, #tpu.memory_space<vmem>> -> memref<1x5x64x128xf32, #tpu.memory_space<vmem>>
      %dma_start3A_981 = tpu.memref_squeeze %dma_start3A_980 : memref<1x5x64x128xf32, #tpu.memory_space<vmem>> -> memref<5x64x128xf32, #tpu.memory_space<vmem>>
      %dma_start3A_982 = arith.constant 0 : i32
      %dma_start3A_983 = arith.constant 0 : i32
      %dma_start3A_984 = tpu.memref_slice %dma_start3A_981[%dma_start3A_963, %dma_start3A_982, %dma_start3A_983] : memref<5x64x128xf32, #tpu.memory_space<vmem>> -> memref<1x64x128xf32, #tpu.memory_space<vmem>>
      %dma_start3A_985 = tpu.memref_squeeze %dma_start3A_984 : memref<1x64x128xf32, #tpu.memory_space<vmem>> -> memref<64x128xf32, #tpu.memory_space<vmem>>
      tpu.enqueue_dma source(%dma_start3A_985 : memref<64x128xf32, #tpu.memory_space<vmem>>) target(%dma_start3A_976 : memref<64x128xf32, #tpu.memory_space<hbm>>) target_semaphore(%arg10 : memref<!tpu.dma_semaphore, #tpu.memory_space<semaphore_mem>>)
      %mul3A_986 = arith.constant 5 : i32
      %mul3A_987 = arith.muli %add3A_628, %mul3A_986 : i32
      %add3A_988 = arith.addi %mul3A_2, %mul3A_987 : i32
      %add3A_989 = arith.constant 3 : i32
      %add3A_990 = arith.addi %add3A_988, %add3A_989 : i32
      %mul3A_991 = arith.constant 64 : i32
      %mul3A_992 = arith.muli %add3A_990, %mul3A_991 : i32
      %dma_start3A_993 = arith.constant 1 : i32
      %dma_start3A_994 = arith.constant 3 : i32
      %dma_start3A_995 = arith.constant 0 : i32
      %dma_start3A_996 = arith.constant 0 : i32
      %dma_start3A_997 = arith.constant 0 : i32
      %dma_start3A_998 = tpu.memref_slice %arg6[%dma_start3A_993, %dma_start3A_995, %dma_start3A_996, %dma_start3A_997] : memref<2x5x64x128xf32, #tpu.memory_space<vmem>> -> memref<1x5x64x128xf32, #tpu.memory_space<vmem>>
      %dma_start3A_999 = tpu.memref_squeeze %dma_start3A_998 : memref<1x5x64x128xf32, #tpu.memory_space<vmem>> -> memref<5x64x128xf32, #tpu.memory_space<vmem>>
      %dma_start3A_1000 = arith.constant 0 : i32
      %dma_start3A_1001 = arith.constant 0 : i32
      %dma_start3A_1002 = tpu.memref_slice %dma_start3A_999[%dma_start3A_994, %dma_start3A_1000, %dma_start3A_1001] : memref<5x64x128xf32, #tpu.memory_space<vmem>> -> memref<1x64x128xf32, #tpu.memory_space<vmem>>
      %dma_start3A_1003 = tpu.memref_squeeze %dma_start3A_1002 : memref<1x64x128xf32, #tpu.memory_space<vmem>> -> memref<64x128xf32, #tpu.memory_space<vmem>>
      %dma_start3A_1004 = arith.constant 0 : i32
      %dma_start3A_1005 = tpu.memref_slice %arg4[%mul3A_992, %dma_start3A_1004] : memref<819200x128xf32, #tpu.memory_space<hbm>> -> memref<64x128xf32, #tpu.memory_space<hbm>>
      %dma_start3A_1006 = arith.constant 0 : i32
      %dma_start3A_1007 = tpu.memref_slice %arg4[%mul3A_992, %dma_start3A_1006] : memref<819200x128xf32, #tpu.memory_space<hbm>> -> memref<64x128xf32, #tpu.memory_space<hbm>>
      %dma_start3A_1008 = arith.constant 0 : i32
      %dma_start3A_1009 = arith.constant 0 : i32
      %dma_start3A_1010 = arith.constant 0 : i32
      %dma_start3A_1011 = tpu.memref_slice %arg6[%dma_start3A_993, %dma_start3A_1008, %dma_start3A_1009, %dma_start3A_1010] : memref<2x5x64x128xf32, #tpu.memory_space<vmem>> -> memref<1x5x64x128xf32, #tpu.memory_space<vmem>>
      %dma_start3A_1012 = tpu.memref_squeeze %dma_start3A_1011 : memref<1x5x64x128xf32, #tpu.memory_space<vmem>> -> memref<5x64x128xf32, #tpu.memory_space<vmem>>
      %dma_start3A_1013 = arith.constant 0 : i32
      %dma_start3A_1014 = arith.constant 0 : i32
      %dma_start3A_1015 = tpu.memref_slice %dma_start3A_1012[%dma_start3A_994, %dma_start3A_1013, %dma_start3A_1014] : memref<5x64x128xf32, #tpu.memory_space<vmem>> -> memref<1x64x128xf32, #tpu.memory_space<vmem>>
      %dma_start3A_1016 = tpu.memref_squeeze %dma_start3A_1015 : memref<1x64x128xf32, #tpu.memory_space<vmem>> -> memref<64x128xf32, #tpu.memory_space<vmem>>
      tpu.enqueue_dma source(%dma_start3A_1016 : memref<64x128xf32, #tpu.memory_space<vmem>>) target(%dma_start3A_1007 : memref<64x128xf32, #tpu.memory_space<hbm>>) target_semaphore(%arg10 : memref<!tpu.dma_semaphore, #tpu.memory_space<semaphore_mem>>)
      %mul3A_1017 = arith.constant 5 : i32
      %mul3A_1018 = arith.muli %add3A_628, %mul3A_1017 : i32
      %add3A_1019 = arith.addi %mul3A_2, %mul3A_1018 : i32
      %add3A_1020 = arith.constant 4 : i32
      %add3A_1021 = arith.addi %add3A_1019, %add3A_1020 : i32
      %mul3A_1022 = arith.constant 64 : i32
      %mul3A_1023 = arith.muli %add3A_1021, %mul3A_1022 : i32
      %dma_start3A_1024 = arith.constant 1 : i32
      %dma_start3A_1025 = arith.constant 4 : i32
      %dma_start3A_1026 = arith.constant 0 : i32
      %dma_start3A_1027 = arith.constant 0 : i32
      %dma_start3A_1028 = arith.constant 0 : i32
      %dma_start3A_1029 = tpu.memref_slice %arg6[%dma_start3A_1024, %dma_start3A_1026, %dma_start3A_1027, %dma_start3A_1028] : memref<2x5x64x128xf32, #tpu.memory_space<vmem>> -> memref<1x5x64x128xf32, #tpu.memory_space<vmem>>
      %dma_start3A_1030 = tpu.memref_squeeze %dma_start3A_1029 : memref<1x5x64x128xf32, #tpu.memory_space<vmem>> -> memref<5x64x128xf32, #tpu.memory_space<vmem>>
      %dma_start3A_1031 = arith.constant 0 : i32
      %dma_start3A_1032 = arith.constant 0 : i32
      %dma_start3A_1033 = tpu.memref_slice %dma_start3A_1030[%dma_start3A_1025, %dma_start3A_1031, %dma_start3A_1032] : memref<5x64x128xf32, #tpu.memory_space<vmem>> -> memref<1x64x128xf32, #tpu.memory_space<vmem>>
      %dma_start3A_1034 = tpu.memref_squeeze %dma_start3A_1033 : memref<1x64x128xf32, #tpu.memory_space<vmem>> -> memref<64x128xf32, #tpu.memory_space<vmem>>
      %dma_start3A_1035 = arith.constant 0 : i32
      %dma_start3A_1036 = tpu.memref_slice %arg4[%mul3A_1023, %dma_start3A_1035] : memref<819200x128xf32, #tpu.memory_space<hbm>> -> memref<64x128xf32, #tpu.memory_space<hbm>>
      %dma_start3A_1037 = arith.constant 0 : i32
      %dma_start3A_1038 = tpu.memref_slice %arg4[%mul3A_1023, %dma_start3A_1037] : memref<819200x128xf32, #tpu.memory_space<hbm>> -> memref<64x128xf32, #tpu.memory_space<hbm>>
      %dma_start3A_1039 = arith.constant 0 : i32
      %dma_start3A_1040 = arith.constant 0 : i32
      %dma_start3A_1041 = arith.constant 0 : i32
      %dma_start3A_1042 = tpu.memref_slice %arg6[%dma_start3A_1024, %dma_start3A_1039, %dma_start3A_1040, %dma_start3A_1041] : memref<2x5x64x128xf32, #tpu.memory_space<vmem>> -> memref<1x5x64x128xf32, #tpu.memory_space<vmem>>
      %dma_start3A_1043 = tpu.memref_squeeze %dma_start3A_1042 : memref<1x5x64x128xf32, #tpu.memory_space<vmem>> -> memref<5x64x128xf32, #tpu.memory_space<vmem>>
      %dma_start3A_1044 = arith.constant 0 : i32
      %dma_start3A_1045 = arith.constant 0 : i32
      %dma_start3A_1046 = tpu.memref_slice %dma_start3A_1043[%dma_start3A_1025, %dma_start3A_1044, %dma_start3A_1045] : memref<5x64x128xf32, #tpu.memory_space<vmem>> -> memref<1x64x128xf32, #tpu.memory_space<vmem>>
      %dma_start3A_1047 = tpu.memref_squeeze %dma_start3A_1046 : memref<1x64x128xf32, #tpu.memory_space<vmem>> -> memref<64x128xf32, #tpu.memory_space<vmem>>
      tpu.enqueue_dma source(%dma_start3A_1047 : memref<64x128xf32, #tpu.memory_space<vmem>>) target(%dma_start3A_1038 : memref<64x128xf32, #tpu.memory_space<hbm>>) target_semaphore(%arg10 : memref<!tpu.dma_semaphore, #tpu.memory_space<semaphore_mem>>)
    }
    %scan3A_96 = arith.constant 40 : i32
    %dma_wait3A = arith.constant 0 : i32
    %dma_wait3A_97 = arith.constant 0 : i32
    %dma_wait3A_98 = arith.constant 0 : i32
    %dma_wait3A_99 = arith.constant 0 : i32
    %dma_wait3A_100 = arith.constant 0 : i32
    %dma_wait3A_101 = tpu.memref_slice %arg6[%dma_wait3A, %dma_wait3A_98, %dma_wait3A_99, %dma_wait3A_100] : memref<2x5x64x128xf32, #tpu.memory_space<vmem>> -> memref<1x5x64x128xf32, #tpu.memory_space<vmem>>
    %dma_wait3A_102 = tpu.memref_squeeze %dma_wait3A_101 : memref<1x5x64x128xf32, #tpu.memory_space<vmem>> -> memref<5x64x128xf32, #tpu.memory_space<vmem>>
    %dma_wait3A_103 = arith.constant 0 : i32
    %dma_wait3A_104 = arith.constant 0 : i32
    %dma_wait3A_105 = tpu.memref_slice %dma_wait3A_102[%dma_wait3A_97, %dma_wait3A_103, %dma_wait3A_104] : memref<5x64x128xf32, #tpu.memory_space<vmem>> -> memref<1x64x128xf32, #tpu.memory_space<vmem>>
    %dma_wait3A_106 = tpu.memref_squeeze %dma_wait3A_105 : memref<1x64x128xf32, #tpu.memory_space<vmem>> -> memref<64x128xf32, #tpu.memory_space<vmem>>
    %dma_wait3A_107 = arith.constant 0 : i32
    %dma_wait3A_108 = arith.constant 0 : i32
    %dma_wait3A_109 = tpu.memref_slice %arg4[%dma_wait3A_107, %dma_wait3A_108] : memref<819200x128xf32, #tpu.memory_space<hbm>> -> memref<64x128xf32, #tpu.memory_space<hbm>>
    %dma_wait3A_110 = arith.constant 0 : i32
    %dma_wait3A_111 = arith.constant 0 : i32
    %dma_wait3A_112 = tpu.memref_slice %arg4[%dma_wait3A_110, %dma_wait3A_111] : memref<819200x128xf32, #tpu.memory_space<hbm>> -> memref<64x128xf32, #tpu.memory_space<hbm>>
    %dma_wait3A_113 = arith.constant 0 : i32
    %dma_wait3A_114 = arith.constant 0 : i32
    %dma_wait3A_115 = arith.constant 0 : i32
    %dma_wait3A_116 = tpu.memref_slice %arg6[%dma_wait3A, %dma_wait3A_113, %dma_wait3A_114, %dma_wait3A_115] : memref<2x5x64x128xf32, #tpu.memory_space<vmem>> -> memref<1x5x64x128xf32, #tpu.memory_space<vmem>>
    %dma_wait3A_117 = tpu.memref_squeeze %dma_wait3A_116 : memref<1x5x64x128xf32, #tpu.memory_space<vmem>> -> memref<5x64x128xf32, #tpu.memory_space<vmem>>
    %dma_wait3A_118 = arith.constant 0 : i32
    %dma_wait3A_119 = arith.constant 0 : i32
    %dma_wait3A_120 = tpu.memref_slice %dma_wait3A_117[%dma_wait3A_97, %dma_wait3A_118, %dma_wait3A_119] : memref<5x64x128xf32, #tpu.memory_space<vmem>> -> memref<1x64x128xf32, #tpu.memory_space<vmem>>
    %dma_wait3A_121 = tpu.memref_squeeze %dma_wait3A_120 : memref<1x64x128xf32, #tpu.memory_space<vmem>> -> memref<64x128xf32, #tpu.memory_space<vmem>>
    tpu.wait_dma2 semaphore(%arg10 : memref<!tpu.dma_semaphore, #tpu.memory_space<semaphore_mem>>) src(%dma_wait3A_121 : memref<64x128xf32, #tpu.memory_space<vmem>>) dst(%dma_wait3A_112 : memref<64x128xf32, #tpu.memory_space<hbm>>)
    %dma_wait3A_122 = arith.constant 0 : i32
    %dma_wait3A_123 = arith.constant 1 : i32
    %dma_wait3A_124 = arith.constant 0 : i32
    %dma_wait3A_125 = arith.constant 0 : i32
    %dma_wait3A_126 = arith.constant 0 : i32
    %dma_wait3A_127 = tpu.memref_slice %arg6[%dma_wait3A_122, %dma_wait3A_124, %dma_wait3A_125, %dma_wait3A_126] : memref<2x5x64x128xf32, #tpu.memory_space<vmem>> -> memref<1x5x64x128xf32, #tpu.memory_space<vmem>>
    %dma_wait3A_128 = tpu.memref_squeeze %dma_wait3A_127 : memref<1x5x64x128xf32, #tpu.memory_space<vmem>> -> memref<5x64x128xf32, #tpu.memory_space<vmem>>
    %dma_wait3A_129 = arith.constant 0 : i32
    %dma_wait3A_130 = arith.constant 0 : i32
    %dma_wait3A_131 = tpu.memref_slice %dma_wait3A_128[%dma_wait3A_123, %dma_wait3A_129, %dma_wait3A_130] : memref<5x64x128xf32, #tpu.memory_space<vmem>> -> memref<1x64x128xf32, #tpu.memory_space<vmem>>
    %dma_wait3A_132 = tpu.memref_squeeze %dma_wait3A_131 : memref<1x64x128xf32, #tpu.memory_space<vmem>> -> memref<64x128xf32, #tpu.memory_space<vmem>>
    %dma_wait3A_133 = arith.constant 0 : i32
    %dma_wait3A_134 = arith.constant 0 : i32
    %dma_wait3A_135 = tpu.memref_slice %arg4[%dma_wait3A_133, %dma_wait3A_134] : memref<819200x128xf32, #tpu.memory_space<hbm>> -> memref<64x128xf32, #tpu.memory_space<hbm>>
    %dma_wait3A_136 = arith.constant 0 : i32
    %dma_wait3A_137 = arith.constant 0 : i32
    %dma_wait3A_138 = tpu.memref_slice %arg4[%dma_wait3A_136, %dma_wait3A_137] : memref<819200x128xf32, #tpu.memory_space<hbm>> -> memref<64x128xf32, #tpu.memory_space<hbm>>
    %dma_wait3A_139 = arith.constant 0 : i32
    %dma_wait3A_140 = arith.constant 0 : i32
    %dma_wait3A_141 = arith.constant 0 : i32
    %dma_wait3A_142 = tpu.memref_slice %arg6[%dma_wait3A_122, %dma_wait3A_139, %dma_wait3A_140, %dma_wait3A_141] : memref<2x5x64x128xf32, #tpu.memory_space<vmem>> -> memref<1x5x64x128xf32, #tpu.memory_space<vmem>>
    %dma_wait3A_143 = tpu.memref_squeeze %dma_wait3A_142 : memref<1x5x64x128xf32, #tpu.memory_space<vmem>> -> memref<5x64x128xf32, #tpu.memory_space<vmem>>
    %dma_wait3A_144 = arith.constant 0 : i32
    %dma_wait3A_145 = arith.constant 0 : i32
    %dma_wait3A_146 = tpu.memref_slice %dma_wait3A_143[%dma_wait3A_123, %dma_wait3A_144, %dma_wait3A_145] : memref<5x64x128xf32, #tpu.memory_space<vmem>> -> memref<1x64x128xf32, #tpu.memory_space<vmem>>
    %dma_wait3A_147 = tpu.memref_squeeze %dma_wait3A_146 : memref<1x64x128xf32, #tpu.memory_space<vmem>> -> memref<64x128xf32, #tpu.memory_space<vmem>>
    tpu.wait_dma2 semaphore(%arg10 : memref<!tpu.dma_semaphore, #tpu.memory_space<semaphore_mem>>) src(%dma_wait3A_147 : memref<64x128xf32, #tpu.memory_space<vmem>>) dst(%dma_wait3A_138 : memref<64x128xf32, #tpu.memory_space<hbm>>)
    %dma_wait3A_148 = arith.constant 0 : i32
    %dma_wait3A_149 = arith.constant 2 : i32
    %dma_wait3A_150 = arith.constant 0 : i32
    %dma_wait3A_151 = arith.constant 0 : i32
    %dma_wait3A_152 = arith.constant 0 : i32
    %dma_wait3A_153 = tpu.memref_slice %arg6[%dma_wait3A_148, %dma_wait3A_150, %dma_wait3A_151, %dma_wait3A_152] : memref<2x5x64x128xf32, #tpu.memory_space<vmem>> -> memref<1x5x64x128xf32, #tpu.memory_space<vmem>>
    %dma_wait3A_154 = tpu.memref_squeeze %dma_wait3A_153 : memref<1x5x64x128xf32, #tpu.memory_space<vmem>> -> memref<5x64x128xf32, #tpu.memory_space<vmem>>
    %dma_wait3A_155 = arith.constant 0 : i32
    %dma_wait3A_156 = arith.constant 0 : i32
    %dma_wait3A_157 = tpu.memref_slice %dma_wait3A_154[%dma_wait3A_149, %dma_wait3A_155, %dma_wait3A_156] : memref<5x64x128xf32, #tpu.memory_space<vmem>> -> memref<1x64x128xf32, #tpu.memory_space<vmem>>
    %dma_wait3A_158 = tpu.memref_squeeze %dma_wait3A_157 : memref<1x64x128xf32, #tpu.memory_space<vmem>> -> memref<64x128xf32, #tpu.memory_space<vmem>>
    %dma_wait3A_159 = arith.constant 0 : i32
    %dma_wait3A_160 = arith.constant 0 : i32
    %dma_wait3A_161 = tpu.memref_slice %arg4[%dma_wait3A_159, %dma_wait3A_160] : memref<819200x128xf32, #tpu.memory_space<hbm>> -> memref<64x128xf32, #tpu.memory_space<hbm>>
    %dma_wait3A_162 = arith.constant 0 : i32
    %dma_wait3A_163 = arith.constant 0 : i32
    %dma_wait3A_164 = tpu.memref_slice %arg4[%dma_wait3A_162, %dma_wait3A_163] : memref<819200x128xf32, #tpu.memory_space<hbm>> -> memref<64x128xf32, #tpu.memory_space<hbm>>
    %dma_wait3A_165 = arith.constant 0 : i32
    %dma_wait3A_166 = arith.constant 0 : i32
    %dma_wait3A_167 = arith.constant 0 : i32
    %dma_wait3A_168 = tpu.memref_slice %arg6[%dma_wait3A_148, %dma_wait3A_165, %dma_wait3A_166, %dma_wait3A_167] : memref<2x5x64x128xf32, #tpu.memory_space<vmem>> -> memref<1x5x64x128xf32, #tpu.memory_space<vmem>>
    %dma_wait3A_169 = tpu.memref_squeeze %dma_wait3A_168 : memref<1x5x64x128xf32, #tpu.memory_space<vmem>> -> memref<5x64x128xf32, #tpu.memory_space<vmem>>
    %dma_wait3A_170 = arith.constant 0 : i32
    %dma_wait3A_171 = arith.constant 0 : i32
    %dma_wait3A_172 = tpu.memref_slice %dma_wait3A_169[%dma_wait3A_149, %dma_wait3A_170, %dma_wait3A_171] : memref<5x64x128xf32, #tpu.memory_space<vmem>> -> memref<1x64x128xf32, #tpu.memory_space<vmem>>
    %dma_wait3A_173 = tpu.memref_squeeze %dma_wait3A_172 : memref<1x64x128xf32, #tpu.memory_space<vmem>> -> memref<64x128xf32, #tpu.memory_space<vmem>>
    tpu.wait_dma2 semaphore(%arg10 : memref<!tpu.dma_semaphore, #tpu.memory_space<semaphore_mem>>) src(%dma_wait3A_173 : memref<64x128xf32, #tpu.memory_space<vmem>>) dst(%dma_wait3A_164 : memref<64x128xf32, #tpu.memory_space<hbm>>)
    %dma_wait3A_174 = arith.constant 0 : i32
    %dma_wait3A_175 = arith.constant 3 : i32
    %dma_wait3A_176 = arith.constant 0 : i32
    %dma_wait3A_177 = arith.constant 0 : i32
    %dma_wait3A_178 = arith.constant 0 : i32
    %dma_wait3A_179 = tpu.memref_slice %arg6[%dma_wait3A_174, %dma_wait3A_176, %dma_wait3A_177, %dma_wait3A_178] : memref<2x5x64x128xf32, #tpu.memory_space<vmem>> -> memref<1x5x64x128xf32, #tpu.memory_space<vmem>>
    %dma_wait3A_180 = tpu.memref_squeeze %dma_wait3A_179 : memref<1x5x64x128xf32, #tpu.memory_space<vmem>> -> memref<5x64x128xf32, #tpu.memory_space<vmem>>
    %dma_wait3A_181 = arith.constant 0 : i32
    %dma_wait3A_182 = arith.constant 0 : i32
    %dma_wait3A_183 = tpu.memref_slice %dma_wait3A_180[%dma_wait3A_175, %dma_wait3A_181, %dma_wait3A_182] : memref<5x64x128xf32, #tpu.memory_space<vmem>> -> memref<1x64x128xf32, #tpu.memory_space<vmem>>
    %dma_wait3A_184 = tpu.memref_squeeze %dma_wait3A_183 : memref<1x64x128xf32, #tpu.memory_space<vmem>> -> memref<64x128xf32, #tpu.memory_space<vmem>>
    %dma_wait3A_185 = arith.constant 0 : i32
    %dma_wait3A_186 = arith.constant 0 : i32
    %dma_wait3A_187 = tpu.memref_slice %arg4[%dma_wait3A_185, %dma_wait3A_186] : memref<819200x128xf32, #tpu.memory_space<hbm>> -> memref<64x128xf32, #tpu.memory_space<hbm>>
    %dma_wait3A_188 = arith.constant 0 : i32
    %dma_wait3A_189 = arith.constant 0 : i32
    %dma_wait3A_190 = tpu.memref_slice %arg4[%dma_wait3A_188, %dma_wait3A_189] : memref<819200x128xf32, #tpu.memory_space<hbm>> -> memref<64x128xf32, #tpu.memory_space<hbm>>
    %dma_wait3A_191 = arith.constant 0 : i32
    %dma_wait3A_192 = arith.constant 0 : i32
    %dma_wait3A_193 = arith.constant 0 : i32
    %dma_wait3A_194 = tpu.memref_slice %arg6[%dma_wait3A_174, %dma_wait3A_191, %dma_wait3A_192, %dma_wait3A_193] : memref<2x5x64x128xf32, #tpu.memory_space<vmem>> -> memref<1x5x64x128xf32, #tpu.memory_space<vmem>>
    %dma_wait3A_195 = tpu.memref_squeeze %dma_wait3A_194 : memref<1x5x64x128xf32, #tpu.memory_space<vmem>> -> memref<5x64x128xf32, #tpu.memory_space<vmem>>
    %dma_wait3A_196 = arith.constant 0 : i32
    %dma_wait3A_197 = arith.constant 0 : i32
    %dma_wait3A_198 = tpu.memref_slice %dma_wait3A_195[%dma_wait3A_175, %dma_wait3A_196, %dma_wait3A_197] : memref<5x64x128xf32, #tpu.memory_space<vmem>> -> memref<1x64x128xf32, #tpu.memory_space<vmem>>
    %dma_wait3A_199 = tpu.memref_squeeze %dma_wait3A_198 : memref<1x64x128xf32, #tpu.memory_space<vmem>> -> memref<64x128xf32, #tpu.memory_space<vmem>>
    tpu.wait_dma2 semaphore(%arg10 : memref<!tpu.dma_semaphore, #tpu.memory_space<semaphore_mem>>) src(%dma_wait3A_199 : memref<64x128xf32, #tpu.memory_space<vmem>>) dst(%dma_wait3A_190 : memref<64x128xf32, #tpu.memory_space<hbm>>)
    %dma_wait3A_200 = arith.constant 0 : i32
    %dma_wait3A_201 = arith.constant 4 : i32
    %dma_wait3A_202 = arith.constant 0 : i32
    %dma_wait3A_203 = arith.constant 0 : i32
    %dma_wait3A_204 = arith.constant 0 : i32
    %dma_wait3A_205 = tpu.memref_slice %arg6[%dma_wait3A_200, %dma_wait3A_202, %dma_wait3A_203, %dma_wait3A_204] : memref<2x5x64x128xf32, #tpu.memory_space<vmem>> -> memref<1x5x64x128xf32, #tpu.memory_space<vmem>>
    %dma_wait3A_206 = tpu.memref_squeeze %dma_wait3A_205 : memref<1x5x64x128xf32, #tpu.memory_space<vmem>> -> memref<5x64x128xf32, #tpu.memory_space<vmem>>
    %dma_wait3A_207 = arith.constant 0 : i32
    %dma_wait3A_208 = arith.constant 0 : i32
    %dma_wait3A_209 = tpu.memref_slice %dma_wait3A_206[%dma_wait3A_201, %dma_wait3A_207, %dma_wait3A_208] : memref<5x64x128xf32, #tpu.memory_space<vmem>> -> memref<1x64x128xf32, #tpu.memory_space<vmem>>
    %dma_wait3A_210 = tpu.memref_squeeze %dma_wait3A_209 : memref<1x64x128xf32, #tpu.memory_space<vmem>> -> memref<64x128xf32, #tpu.memory_space<vmem>>
    %dma_wait3A_211 = arith.constant 0 : i32
    %dma_wait3A_212 = arith.constant 0 : i32
    %dma_wait3A_213 = tpu.memref_slice %arg4[%dma_wait3A_211, %dma_wait3A_212] : memref<819200x128xf32, #tpu.memory_space<hbm>> -> memref<64x128xf32, #tpu.memory_space<hbm>>
    %dma_wait3A_214 = arith.constant 0 : i32
    %dma_wait3A_215 = arith.constant 0 : i32
    %dma_wait3A_216 = tpu.memref_slice %arg4[%dma_wait3A_214, %dma_wait3A_215] : memref<819200x128xf32, #tpu.memory_space<hbm>> -> memref<64x128xf32, #tpu.memory_space<hbm>>
    %dma_wait3A_217 = arith.constant 0 : i32
    %dma_wait3A_218 = arith.constant 0 : i32
    %dma_wait3A_219 = arith.constant 0 : i32
    %dma_wait3A_220 = tpu.memref_slice %arg6[%dma_wait3A_200, %dma_wait3A_217, %dma_wait3A_218, %dma_wait3A_219] : memref<2x5x64x128xf32, #tpu.memory_space<vmem>> -> memref<1x5x64x128xf32, #tpu.memory_space<vmem>>
    %dma_wait3A_221 = tpu.memref_squeeze %dma_wait3A_220 : memref<1x5x64x128xf32, #tpu.memory_space<vmem>> -> memref<5x64x128xf32, #tpu.memory_space<vmem>>
    %dma_wait3A_222 = arith.constant 0 : i32
    %dma_wait3A_223 = arith.constant 0 : i32
    %dma_wait3A_224 = tpu.memref_slice %dma_wait3A_221[%dma_wait3A_201, %dma_wait3A_222, %dma_wait3A_223] : memref<5x64x128xf32, #tpu.memory_space<vmem>> -> memref<1x64x128xf32, #tpu.memory_space<vmem>>
    %dma_wait3A_225 = tpu.memref_squeeze %dma_wait3A_224 : memref<1x64x128xf32, #tpu.memory_space<vmem>> -> memref<64x128xf32, #tpu.memory_space<vmem>>
    tpu.wait_dma2 semaphore(%arg10 : memref<!tpu.dma_semaphore, #tpu.memory_space<semaphore_mem>>) src(%dma_wait3A_225 : memref<64x128xf32, #tpu.memory_space<vmem>>) dst(%dma_wait3A_216 : memref<64x128xf32, #tpu.memory_space<hbm>>)
    return
  }
}

</mosaic_0001>

<sc_bundles>
// kernel: kernel.3.cloned.1.call-start
scs
__scs_entry_jumppad:
0x0: {  	(pc) =	sbr.rel $0x88, $3  }
0x1: {  	(tag) =	ssettag $0x0;
	lr =	simm.s32 $0x1  }
0x2: {  	[smem:$0x3F9F] =	sst lr;
	_ =	strace $0xD0000000  }
0x3: {  	_ = 	snop  }
0x4: {  	_ = 	snop  }
0x5: {  	_ = 	snop  }
0x6: {  	_ = 	snop  }
0x7: {  	_ = 	snop  }
__scs_overlays_trampoline_lowered:
0x8: {  	[smem:$0x3FAE] =	sst s0  }
0x9: {  	[smem:$0x3FAF] =	sst s1  }
0xa: {  	[smem:$0x3FB0] =	sst s2  }
0xb: {  	[smem:$0x3FB1] =	sst s3  }
0xc: {  	[smem:$0x3FB2] =	sst s4  }
0xd: {  	[smem:$0x3FB3] =	sst s5  }
0xe: {  	[smem:$0x3FB4] =	sst s6  }
0xf: {  	[smem:$0x3FB5] =	sst s7  }
0x10: {  	[smem:$0x3FB6] =	sst s8  }
0x11: {  	[smem:$0x3FB7] =	sst s9;
	s0 =	simm.s32 @!p0 $0x0  }
0x12: {  	s1 =	sld [smem:$0x3F9D];
	s0 =	simm.s32 @p0 $0x1  }
0x13: {  	[smem:$0x3FB8] =	sst s0;
	s0 =	simm.s32 @!p1 $0x0  }
0x14: {  	s2 =	sld [smem:$0x3F9C];
	s0 =	simm.s32 @p1 $0x1  }
0x15: {  	[smem:$0x3FB9] =	sst s0;
	s0 =	simm.s32 @!p2 $0x0  }
0x16: {  	s3 =	sld [smem:$0x3FDB];
	s0 =	simm.s32 @p2 $0x1  }
0x17: {  	s4 =	simm.s32 $0x1BF5;
	[smem:$0x3FBB] =	sst s0  }
0x18: {  	s0 =	sld [smem:$0x3F9E];
	_ =	swait.ge [sflag:s4], $0x0  }
0x19: {  	s7 =	sld [smem:$0x3F9F]  }
0x1a: {  	s8 =	sadd.s32 $0xFFFFE003, lr  }
0x1b: {  	s9 =	sadd.s32 $0xFFFFFEF7, lr;
	s5 =	simm.s32 $0xFFFFFFFF;
	p2 =	slt.u32 s8, $0xFFFFF086  }
0x1c: {  	p1 =	slt.u32 s9, $0xF7A;
	s5 =	simm.s32 @!p2 $0x0  }
0x1d: {  	s5 =	simm.s32 @p1 $0x1;
	p0 =	seq.s32 s7, s2  }
0x1e: {  	s7 =	smul.u32 @!p0 $0xF7A, s2;
	p2 =	seq.s32 @!p0 s5, $0x0  }
0x1f: {  	s9 =	smul.u32 $0xF7A, s1;
	s8 =	simm.s32 @!p0 $0x1BF5;
	p2 =	por !p2, p0  }
0x20: {  	[sflag:s8] =	ssyncset.s32 @!p0 $0xFFFFF086;
	s6 =	sadd.s32 @!p0 s3, s7;
	s7 =	simm.s32 @!p0 $0x108  }
0x21: {  	s3 =	sadd.s32 s3, s9;
	s6 =	sadd.s32 @!p0 $0x88, s6;
	s7 =	simm.s32 @p2 $0x1082  }
0x22: {  	[simem:s7], [sflag:s8] =	dma.local @!p0 [hbm:s6], $0xF7A  }
0x23: {  	s9 =	sor.u32 $0xD0000000, s2;
	s6 =	simm.s32 $0x108;
	_ =	swait.ge @!p0 [sflag:s8], $0x0  }
0x24: {  	s3 =	sadd.s32 $0x88, s3;
	s6 =	simm.s32 @!p1 $0x1082;
	[sflag:s4] =	ssyncset.s32 $0xFFFFF086  }
0x25: {  	[simem:s6], [sflag:s4] =	dma.local [hbm:s3], $0xF7A  }
0x26: {  	[smem:$0x3F9F] =	sst s1;
	(tag) =	ssettag s2;
	_ =	strace s9  }
0x27: {  	s1 =	sld [smem:$0x3FAF]  }
0x28: {  	s2 =	sld [smem:$0x3FB0]  }
0x29: {  	s4 =	sld [smem:$0x3FB2]  }
0x2a: {  	p0 =	seq.s32 s5, $0x0;
	s5 =	sld [smem:$0x3FB3]  }
0x2b: {  	s6 =	sld [smem:$0x3FB4]  }
0x2c: {  	s7 =	sld [smem:$0x3FB5]  }
0x2d: {  	s3 =	simm.s32 $0x108;
	s8 =	sld [smem:$0x3FB6]  }
0x2e: {  	s3 =	simm.s32 @!p0 $0x1082;
	s9 =	sld [smem:$0x3FB7]  }
0x2f: {  	lr =	sadd.s32 s0, s3;
	s0 =	sld [smem:$0x3FAE]  }
0x30: {  	s3 =	sld [smem:$0x3FB1]  }
0x31: {  	[smem:$0x3FBA] =	sst s10  }
0x32: {  	s10 =	sld [smem:$0x3FB8];
	_ =	sdelay $0x3  }
0x33: {  	p0 =	seq.s32 s10, $0x1;
	s10 =	sld [smem:$0x3FBA];
	_ =	sdelay $0x3  }
0x34: {  	[smem:$0x3FBA] =	sst s10  }
0x35: {  	s10 =	sld [smem:$0x3FB9];
	_ =	sdelay $0x3  }
0x36: {  	p1 =	seq.s32 s10, $0x1;
	s10 =	sld [smem:$0x3FBA];
	_ =	sdelay $0x3  }
0x37: {  	[smem:$0x3FBA] =	sst s10  }
0x38: {  	s10 =	sld [smem:$0x3FBB]  }
0x39: {  	_ = 	snop;
	(pc) =	sbr.ind lr, $3  }
0x3a: {  	_ = 	snop  }
0x3b: {  	_ = 	snop  }
0x3c: {  	p2 =	seq.s32 s10, $0x1;
	s10 =	sld [smem:$0x3FBA]  }
0x3d: {  	_ =	shalt  }
0x3e: {  	_ =	shalt  }
0x3f: {  	_ =	shalt  }
0x40: {  	_ =	shalt  }
0x41: {  	_ =	shalt  }
0x42: {  	_ =	shalt  }
0x43: {  	_ =	shalt  }
0x44: {  	_ =	shalt  }
0x45: {  	_ =	shalt  }
0x46: {  	_ =	shalt  }
0x47: {  	_ =	shalt  }
0x48: {  	_ =	shalt  }
0x49: {  	_ =	shalt  }
0x4a: {  	_ =	shalt  }
0x4b: {  	_ =	shalt  }
0x4c: {  	_ =	shalt  }
0x4d: {  	_ =	shalt  }
0x4e: {  	_ =	shalt  }
0x4f: {  	_ =	shalt  }
0x50: {  	_ =	shalt  }
0x51: {  	_ =	shalt  }
0x52: {  	_ =	shalt  }
0x53: {  	_ =	shalt  }
0x54: {  	_ =	shalt  }
0x55: {  	_ =	shalt  }
0x56: {  	_ =	shalt  }
0x57: {  	_ =	shalt  }
0x58: {  	_ =	shalt  }
0x59: {  	_ =	shalt  }
0x5a: {  	_ =	shalt  }
0x5b: {  	_ =	shalt  }
0x5c: {  	_ =	shalt  }
0x5d: {  	_ =	shalt  }
0x5e: {  	_ =	shalt  }
0x5f: {  	_ =	shalt  }
0x60: {  	_ =	shalt  }
0x61: {  	_ =	shalt  }
0x62: {  	_ =	shalt  }
0x63: {  	_ =	shalt  }
0x64: {  	_ =	shalt  }
0x65: {  	_ =	shalt  }
0x66: {  	_ =	shalt  }
0x67: {  	_ =	shalt  }
0x68: {  	_ =	shalt  }
0x69: {  	_ =	shalt  }
0x6a: {  	_ =	shalt  }
0x6b: {  	_ =	shalt  }
0x6c: {  	_ =	shalt  }
0x6d: {  	_ =	shalt  }
0x6e: {  	_ =	shalt  }
0x6f: {  	_ =	shalt  }
0x70: {  	_ =	shalt  }
0x71: {  	_ =	shalt  }
0x72: {  	_ =	shalt  }
0x73: {  	_ =	shalt  }
0x74: {  	_ =	shalt  }
0x75: {  	_ =	shalt  }
0x76: {  	_ =	shalt  }
0x77: {  	_ =	shalt  }
0x78: {  	_ =	shalt  }
0x79: {  	_ =	shalt  }
0x7a: {  	_ =	shalt  }
0x7b: {  	_ =	shalt  }
0x7c: {  	_ =	shalt  }
0x7d: {  	_ =	shalt  }
0x7e: {  	_ =	shalt  }
0x7f: {  	_ =	shalt  }
0x80: {  	_ =	shalt  }
0x81: {  	_ =	shalt  }
0x82: {  	_ =	shalt  }
0x83: {  	_ =	shalt  }
0x84: {  	_ =	shalt  }
0x85: {  	_ =	shalt  }
0x86: {  	_ =	shalt  }
0x87: {  	_ =	shalt  }
.Lfunc_end0:
.L_simem_size_0:
called_computation.1_lowered:
.L_overlay_start_0:
0x88: {  	s2 =	sld [smem:$0x3FD9]  }
0x89: {  	s3 =	sld [smem:$0x3FFE];
	_ =	sdelay $0x1  }
0x8a: {  	s1 =	srdreg.scid  }
0x8b: {  	s0 =	sand.u32 $0x1, s1  }
0x8c: {  	s17 =	sshll.u32 s0, $0xA;
	s2 =	sadd.s32 s3, s2  }
0x8d: {  	s2 =	sadd.s32 s2, s17  }
0x8e: {  	[smem:$0x3FC6] =	sst s2  }
0x8f: {  	_ = 	snop  }
0x90: {  	s2 =	sld [smem:$0x3FD0];
	(tm) =	ssettm $0x1  }
0x91: {  	s18 =	sld [smem:$0x3FFB];
	_ =	sdelay $0x3  }
0x92: {  	_ =	strace s18  }
0x93: {  	s3 =	sld [smem:$0x3FFC];
	_ =	sdelay $0x3  }
0x94: {  	_ =	strace s3  }
0x95: {  	s3 =	sld [smem:$0x3FFD];
	_ =	sdelay $0x3  }
0x96: {  	_ =	strace s3  }
0x97: {  	_ =	strace $0x8FFFFFFF  }
0x98: {  	s19 =	sld [smem:$0x3FDB];
	_ =	sdelay $0x1  }
0x99: {  	s4 =	simm.s32 $_scs_section_size  }
0x9a: {  	s5 =	simm.s32 $_size__tile_overlayer_lowered;
	s6 =	simm.s32 $_tile_overlayer_lowered  }
0x9b: {  	s22 =	simm.s32 $0x1BFF;
	s21 =	sshll.u32 s6, $0x1;
	s3 =	sadd.s32 s4, s19  }
0x9c: {  	s7 =	simm.s32 $0x0;
	s20 =	sshll.u32 s5, $0x1;
	s5 =	sadd.s32 s21, s3  }
0x9d: {  	[timem:s7], [sflag:s22] =	dma.local [hbm:s5], s20  }
0x9e: {  	_ =	swait.ge [sflag:s22], s20  }
0x9f: {  	s4 =	ssub.s32 $0x0, s20;
	[sflag:s22] =	ssyncset.done $0x0  }
0xa0: {  	[sflag:s22] =	ssyncadd.s32 s4;
	_ =	sdelay $0x1  }
0xa1: {  	s23 =	simm.s32 $0x1B8B  }
0xa2: {  	_ =	swait.ge [sflag:s23], $0x1  }
0xa3: {  	[sflag:s23] =	ssyncset.done $0x0  }
0xa4: {  	s25 =	simm.s32 $0x1B8E;
	s24 =	sld [smem:$0x3FFE];
	[sflag:s23] =	ssyncadd.s32 $0xFFFFFFFF  }
0xa5: {  	s26 =	simm.s32 $execute0_lowered;
	[smem:$0x3FD2] =	sst s25  }
0xa6: {  	s5 =	sshll.u32 s26, $0x1;
	_ =	strace $0x80000046;
	[dreg:$0x1] =	wrdreg $0xFFFFFFFF  }
0xa7: {  	s28 =	simm.s32 $_size_execute0_lowered;
	s3 =	sadd.s32 s3, s5;
	[dreg:$0x0] =	wrdreg $0x0  }
0xa8: {  	s5 =	sshll.u32 s28, $0x1;
	[dreg:$0x2] =	wrdreg s3  }
0xa9: {  	[dreg:$0x3] =	wrdreg s5  }
0xaa: {  	[dreg:$0x4] =	wrdreg $0xC0  }
0xab: {  	_ =	task [dreg:s7], $0x5FFFF  }
0xac: {  	[dreg:$0x1] =	wrdreg $0xFFFFFFFF  }
0xad: {  	[dreg:$0x0] =	wrdreg $0x60  }
0xae: {  	[dreg:$0x2] =	wrdreg s24  }
0xaf: {  	[dreg:$0x3] =	wrdreg s2  }
0xb0: {  	[dreg:$0x4] =	wrdreg $0x9  }
0xb1: {  	_ =	task.clear_ibuf [dreg:s7], $0x5FFFF;
	_ =	strace $0x90000046  }
0xb2: {  	s29 =	simm.s32 $0x9;
	_ =	strace $0x80000048  }
0xb3: {  	_ =	swait.ge [sflag:s29], $0x1  }
0xb4: {  	[sflag:s29] =	ssyncadd.s32 $0xFFFFFFFF  }
0xb5: {  	_ =	strace $0x90000048  }
0xb6: {  	_ =	sfence  }
0xb7: {  	s30 =	sld [smem:$0x0];
	_ =	sdelay $0x2  }
0xb8: {  	s31 =	sshll.u32 s1, $0xD;
	s1 =	sshrl.u32 s1, $0x2  }
0xb9: {  	s3 =	sand.u32 $0x4000, s31;
	s1 =	sadd.s32 s1, s30  }
0xba: {  	s0 =	sor.u32 s3, s0;
	s1 =	sshll.u32 s1, $0x11  }
0xbb: {  	s0 =	sor.u32 s1, s0  }
0xbc: {  	s0 =	sadd.s32 $0x8F2B, s0  }
0xbd: {  	[sflag:s0] =	ssyncadd.remote.s32 $0x1  }
0xbe: {  	_ =	sfence.sel $0xFFFF  }
0xbf: {  	[dreg:$0x0] =	wrdreg $0xFFFFFFFF;
	(pc) =	sbr.abs _section_cstart, $3  }
0xc0: {  	[dreg:$0x1] =	wrdreg $0xFFFFFFFF  }
0xc1: {  	_ =	task.clear_ibuf [dreg:s7], $0x2FFFF;
	_ =	strace $0x9FFFFFFF  }
0xc2: {  	(tm) =	ssettm $0x7FFFFFFF  }
0xc3: {  	_ =	shalt  }
tec
execute0_lowered:
.L_overlay_start_1:
0x0: {  	(tag) =	ssettag $0x1  }
0x1: {  	s1 =	srdreg.scid;
	s4 =	rddreg [dreg:$0x0]  }
0x2: {  	s0 =	stileid.u32;
	s5 =	rddreg [dreg:$0x1]  }
0x3: {  	s12 =	simm.s32 $0xA400;
	s14 =	simm.s32 $0xC400;
	s16 =	simm.s32 $0xE400  }
0x4: {  	s17 =	simm.s32 $0x10400;
	s18 =	simm.s32 $0x12400;
	s19 =	simm.s32 $0x14400  }
0x5: {  	s20 =	simm.s32 $0x16400;
	s21 =	simm.s32 $0x18400;
	s22 =	simm.s32 $0x1  }
0x6: {  	s23 =	simm.s32 $0x3;
	s24 =	simm.s32 $0x2;
	s7 =	smul.u32 $0xC8000, s0  }
0x7: {  	s25 =	simm.s32 $0x4;
	s1 =	sand.u32 $0x1, s1;
	s8 =	smul.u32 $0x320, s0  }
0x8: {  	s26 =	simm.s32 $0x0;
	s2 =	sshll.u32 s0, $0x1;
	s10 =	smul.u32 $0x190, s1  }
0x9: {  	s2 =	sor.u32 s1, s2;
	s9 =	ssub.s32 $0x2, s1;
	s1 =	smul.u32 $0x64000, s1  }
0xa: {  	s3 =	sadd.s32 $0xF42E00, s4;
	s6 =	smul.u32 $0xC80, s2;
	s2 =	simm.s32 $0x0  }
0xb: {  	s4 =	sadd.s32 $0xA00, s4;
	s11 =	sshrl.u32 s9, $0x1;
	[smem:$0x7FF] =	sst s2  }
0xc: {  	s9 =	ssub.s32 s9, s11;
	s8 =	sadd.s32 s10, s8;
	s1 =	sadd.s32 s1, s7  }
0xd: {  	s7 =	simm.s32 $0x5;
	s10 =	simm.s32 $0x8400;
	_ =	strace $0x80000047  }
0xe: {  	s29 =	sadd.s32 s5, s6;
	s30 =	sshll.u32 s8, $0xA;
	[dreg:$0x3] =	wrdreg s1  }
0xf: {  	s6 =	smax.u32 s9, $0x1;
	[dreg:$0x5] =	wrdreg s29;
	s31 =	sor.u32 $0x1400, s30  }
0x10: {  	s8 =	simm.s32 $0x40;
	s9 =	simm.s32 $0x6400;
	[dreg:$0x4] =	wrdreg s31  }
.LBB2_1:
0x11: {  	s0 =	rddreg [dreg:$0x5]  }
0x12: {  	[tilespmem:s2], [sflag:$0x5] =	stream.linear.gather [hbm4b:s0+s2], $0x6400, $0x38;
	[tilespmem:$0x1A400] =	vst v63  }
0x13: {  	_ =	swait.ge [sflag:s7], $0x6400  }
0x14: {  	[sflag:s7] =	ssyncset.done $0x0  }
0x15: {  	[sflag:s7] =	ssyncadd.s32 $0xFFFF9C00  }
0x16: {  	[tilespmem:s9], [sflag:$0x1] =	stream.indirect.gather [hbm4b:s3+s8], $0x80, s2, s8, $0xb8;
	[tilespmem:$0x1A400] =	vst v63  }
0x17: {  	_ = 	snop  }
0x18: {  	[tilespmem:s10], [sflag:$0x1] =	stream.indirect.gather [hbm4b:s3+s8], $0x80, s8, s8, $0xb8;
	[tilespmem:$0x1A400] =	vst v63  }
0x19: {  	s13 =	simm.s32 $0x80;
	p0 =	por $0x1, $0x1  }
0x1a: {  	[tilespmem:s12], [sflag:$0x1] =	stream.indirect.gather [hbm4b:s3+s8], $0x80, s13, s8, $0xb8;
	[tilespmem:$0x1A400] =	vst v63  }
0x1b: {  	s15 =	simm.s32 $0xC0;
	p0 =	por p0, p0  }
0x1c: {  	[tilespmem:s14], [sflag:$0x1] =	stream.indirect.gather [hbm4b:s3+s8], $0x80, s15, s8, $0xb8;
	[tilespmem:$0x1A400] =	vst v63  }
0x1d: {  	s31 =	simm.s32 $0x100;
	s1 =	simm.s32 @!p0 $0x4  }
0x1e: {  	[tilespmem:s16], [sflag:$0x1] =	stream.indirect.gather [hbm4b:s3+s8], $0x80, s31, s8, $0xb8;
	[tilespmem:$0x1A400] =	vst v63  }
0x1f: {  	_ =	swait.ge @!p0 [sflag:s1], $0x2000  }
0x20: {  	[sflag:s1] =	ssyncset.done @!p0 $0x0  }
0x21: {  	[sflag:s1] =	ssyncadd.s32 @!p0 $0xFFFFE000  }
0x22: {  	_ =	swait.ge @!p0 [sflag:s1], $0x2000  }
0x23: {  	[sflag:s1] =	ssyncset.done @!p0 $0x0  }
0x24: {  	[sflag:s1] =	ssyncadd.s32 @!p0 $0xFFFFE000  }
0x25: {  	_ =	swait.ge @!p0 [sflag:s1], $0x2000  }
0x26: {  	[sflag:s1] =	ssyncset.done @!p0 $0x0  }
0x27: {  	[sflag:s1] =	ssyncadd.s32 @!p0 $0xFFFFE000  }
0x28: {  	_ =	swait.ge @!p0 [sflag:s1], $0x2000  }
0x29: {  	[sflag:s1] =	ssyncset.done @!p0 $0x0  }
0x2a: {  	[sflag:s1] =	ssyncadd.s32 @!p0 $0xFFFFE000  }
0x2b: {  	_ =	swait.ge @!p0 [sflag:s1], $0x2000  }
0x2c: {  	[sflag:s1] =	ssyncset.done @!p0 $0x0  }
0x2d: {  	s0 =	simm.s32 $0x140;
	[sflag:s1] =	ssyncadd.s32 @!p0 $0xFFFFE000  }
0x2e: {  	[tilespmem:s17], [sflag:$0x2] =	stream.indirect.gather [hbm4b:s3+s8], $0x80, s0, s8, $0xb8;
	[tilespmem:$0x1A400] =	vst v63  }
0x2f: {  	s5 =	simm.s32 $0x180  }
0x30: {  	[tilespmem:s18], [sflag:$0x2] =	stream.indirect.gather [hbm4b:s3+s8], $0x80, s5, s8, $0xb8;
	[tilespmem:$0x1A400] =	vst v63  }
0x31: {  	s11 =	simm.s32 $0x1C0  }
0x32: {  	[tilespmem:s19], [sflag:$0x2] =	stream.indirect.gather [hbm4b:s3+s8], $0x80, s11, s8, $0xb8;
	[tilespmem:$0x1A400] =	vst v63  }
0x33: {  	s13 =	simm.s32 $0x200  }
0x34: {  	[tilespmem:s20], [sflag:$0x2] =	stream.indirect.gather [hbm4b:s3+s8], $0x80, s13, s8, $0xb8;
	[tilespmem:$0x1A400] =	vst v63  }
0x35: {  	s15 =	simm.s32 $0x240  }
0x36: {  	[tilespmem:s21], [sflag:$0x2] =	stream.indirect.gather [hbm4b:s3+s8], $0x80, s15, s8, $0xb8;
	[tilespmem:$0x1A400] =	vst v63  }
0x37: {  	_ =	swait.ge [sflag:s22], $0x2000  }
0x38: {  	[sflag:s22] =	ssyncset.done $0x0  }
0x39: {  	[sflag:s22] =	ssyncadd.s32 $0xFFFFE000  }
0x3a: {  	_ =	swait.ge [sflag:s22], $0x2000  }
0x3b: {  	[sflag:s22] =	ssyncset.done $0x0  }
0x3c: {  	[sflag:s22] =	ssyncadd.s32 $0xFFFFE000  }
0x3d: {  	_ =	swait.ge [sflag:s22], $0x2000  }
0x3e: {  	[sflag:s22] =	ssyncset.done $0x0  }
0x3f: {  	[sflag:s22] =	ssyncadd.s32 $0xFFFFE000  }
0x40: {  	_ =	swait.ge [sflag:s22], $0x2000  }
0x41: {  	[sflag:s22] =	ssyncset.done $0x0  }
0x42: {  	[sflag:s22] =	ssyncadd.s32 $0xFFFFE000  }
0x43: {  	_ =	swait.ge [sflag:s22], $0x2000  }
0x44: {  	s31 =	rddreg [dreg:$0x3];
	[sflag:s22] =	ssyncset.done $0x0  }
0x45: {  	[sflag:s22] =	ssyncadd.s32 $0xFFFFE000;
	s1 =	sadd.s32 s4, s31  }
0x46: {  	[hbm4b:s1+s2] =	stream.linear.scatter [tilespmem:s9], [sflag:$0x3], $0x2000, $0x38;
	[tilespmem:$0x1A400] =	vst v63  }
0x47: {  	s28 =	sadd.s32 $0x400, s1  }
0x48: {  	[hbm4b:s28+s2] =	stream.linear.scatter [tilespmem:s10], [sflag:$0x3], $0x2000, $0x38;
	[tilespmem:$0x1A400] =	vst v63  }
0x49: {  	s28 =	sadd.s32 $0x800, s1  }
0x4a: {  	[hbm4b:s28+s2] =	stream.linear.scatter [tilespmem:s12], [sflag:$0x3], $0x2000, $0x38;
	[tilespmem:$0x1A400] =	vst v63  }
0x4b: {  	s28 =	sadd.s32 $0xC00, s1  }
0x4c: {  	[hbm4b:s28+s2] =	stream.linear.scatter [tilespmem:s14], [sflag:$0x3], $0x2000, $0x38;
	[tilespmem:$0x1A400] =	vst v63  }
0x4d: {  	s28 =	sadd.s32 $0x1000, s1  }
0x4e: {  	[hbm4b:s28+s2] =	stream.linear.scatter [tilespmem:s16], [sflag:$0x3], $0x2000, $0x38;
	[tilespmem:$0x1A400] =	vst v63  }
0x4f: {  	_ =	swait.ge [sflag:s23], $0x2000  }
0x50: {  	[sflag:s23] =	ssyncset.done $0x0  }
0x51: {  	[sflag:s23] =	ssyncadd.s32 $0xFFFFE000  }
0x52: {  	_ =	swait.ge [sflag:s23], $0x2000  }
0x53: {  	[sflag:s23] =	ssyncset.done $0x0  }
0x54: {  	[sflag:s23] =	ssyncadd.s32 $0xFFFFE000  }
0x55: {  	_ =	swait.ge [sflag:s23], $0x2000  }
0x56: {  	[sflag:s23] =	ssyncset.done $0x0  }
0x57: {  	[sflag:s23] =	ssyncadd.s32 $0xFFFFE000  }
0x58: {  	_ =	swait.ge [sflag:s23], $0x2000  }
0x59: {  	[sflag:s23] =	ssyncset.done $0x0  }
0x5a: {  	[sflag:s23] =	ssyncadd.s32 $0xFFFFE000  }
0x5b: {  	p0 =	por $0x0, $0x0;
	_ =	swait.ge [sflag:s23], $0x2000  }
0x5c: {  	s29 =	simm.s32 @!p0 $0x280;
	[sflag:s23] =	ssyncset.done $0x0  }
0x5d: {  	s30 =	simm.s32 @!p0 $0x40;
	s28 =	simm.s32 @!p0 $0x6400;
	[sflag:s23] =	ssyncadd.s32 $0xFFFFE000  }
0x5e: {  	[tilespmem:s28], [sflag:$0x1] =	stream.indirect.gather @!p0 [hbm4b:s3+s30], $0x80, s29, s30, $0xb8;
	[tilespmem:$0x1A400] =	vst v63  }
0x5f: {  	s28 =	simm.s32 @!p0 $0x2C0;
	s29 =	simm.s32 @!p0 $0x8400  }
0x60: {  	[tilespmem:s29], [sflag:$0x1] =	stream.indirect.gather @!p0 [hbm4b:s3+s30], $0x80, s28, s30, $0xb8;
	[tilespmem:$0x1A400] =	vst v63  }
0x61: {  	s28 =	simm.s32 @!p0 $0x300;
	s29 =	simm.s32 @!p0 $0xA400  }
0x62: {  	[tilespmem:s29], [sflag:$0x1] =	stream.indirect.gather @!p0 [hbm4b:s3+s30], $0x80, s28, s30, $0xb8;
	[tilespmem:$0x1A400] =	vst v63  }
0x63: {  	s28 =	simm.s32 @!p0 $0x340;
	s29 =	simm.s32 @!p0 $0xC400  }
0x64: {  	[tilespmem:s29], [sflag:$0x1] =	stream.indirect.gather @!p0 [hbm4b:s3+s30], $0x80, s28, s30, $0xb8;
	[tilespmem:$0x1A400] =	vst v63  }
0x65: {  	s28 =	simm.s32 @!p0 $0x380;
	s29 =	simm.s32 @!p0 $0xE400  }
0x66: {  	[tilespmem:s29], [sflag:$0x1] =	stream.indirect.gather @!p0 [hbm4b:s3+s30], $0x80, s28, s30, $0xb8;
	[tilespmem:$0x1A400] =	vst v63  }
0x67: {  	_ =	swait.ge [sflag:s24], $0x2000  }
0x68: {  	[sflag:s24] =	ssyncset.done $0x0  }
0x69: {  	[sflag:s24] =	ssyncadd.s32 $0xFFFFE000  }
0x6a: {  	_ =	swait.ge [sflag:s24], $0x2000  }
0x6b: {  	[sflag:s24] =	ssyncset.done $0x0  }
0x6c: {  	[sflag:s24] =	ssyncadd.s32 $0xFFFFE000  }
0x6d: {  	_ =	swait.ge [sflag:s24], $0x2000  }
0x6e: {  	[sflag:s24] =	ssyncset.done $0x0  }
0x6f: {  	[sflag:s24] =	ssyncadd.s32 $0xFFFFE000  }
0x70: {  	_ =	swait.ge [sflag:s24], $0x2000  }
0x71: {  	[sflag:s24] =	ssyncset.done $0x0  }
0x72: {  	[sflag:s24] =	ssyncadd.s32 $0xFFFFE000  }
0x73: {  	_ =	swait.ge [sflag:s24], $0x2000  }
0x74: {  	s28 =	rddreg [dreg:$0x4];
	[sflag:s24] =	ssyncset.done $0x0  }
0x75: {  	[sflag:s24] =	ssyncadd.s32 $0xFFFFE000;
	s28 =	sadd.s32 s4, s28  }
0x76: {  	[hbm4b:s28+s2] =	stream.linear.scatter [tilespmem:s17], [sflag:$0x4], $0x2000, $0x38;
	[tilespmem:$0x1A400] =	vst v63  }
0x77: {  	s28 =	sadd.s32 $0x1800, s1  }
0x78: {  	[hbm4b:s28+s2] =	stream.linear.scatter [tilespmem:s18], [sflag:$0x4], $0x2000, $0x38;
	[tilespmem:$0x1A400] =	vst v63  }
0x79: {  	p6 =	por $0x0, $0x0;
	s28 =	sadd.s32 $0x1C00, s1  }
0x7a: {  	[hbm4b:s28+s2] =	stream.linear.scatter [tilespmem:s19], [sflag:$0x4], $0x2000, $0x38;
	[tilespmem:$0x1A400] =	vst v63  }
0x7b: {  	s29 =	simm.s32 $0xA00;
	s30 =	simm.s32 $0x1400;
	s28 =	sadd.s32 $0x2000, s1  }
0x7c: {  	[hbm4b:s28+s2] =	stream.linear.scatter [tilespmem:s20], [sflag:$0x4], $0x2000, $0x38;
	[tilespmem:$0x1A400] =	vst v63  }
0x7d: {  	p0 =	por p6, p6;
	s1 =	sadd.s32 $0x2400, s1;
	s28 =	sadd.s32 $0x2800, s4  }
.LBB2_2:
0x7e: {  	[hbm4b:s1+s2] =	stream.linear.scatter [tilespmem:s21], [sflag:$0x4], $0x2000, $0x38;
	[tilespmem:$0x1A400] =	vst v63  }
0x7f: {  	s1 =	simm.s32 @!p0 $0x4  }
0x80: {  	_ =	swait.ge @!p0 [sflag:s1], $0x2000  }
0x81: {  	[sflag:s1] =	ssyncset.done @!p0 $0x0  }
0x82: {  	[sflag:s1] =	ssyncadd.s32 @!p0 $0xFFFFE000  }
0x83: {  	_ =	swait.ge @!p0 [sflag:s1], $0x2000  }
0x84: {  	[sflag:s1] =	ssyncset.done @!p0 $0x0  }
0x85: {  	[sflag:s1] =	ssyncadd.s32 @!p0 $0xFFFFE000  }
0x86: {  	_ =	swait.ge @!p0 [sflag:s1], $0x2000  }
0x87: {  	[sflag:s1] =	ssyncset.done @!p0 $0x0  }
0x88: {  	[sflag:s1] =	ssyncadd.s32 @!p0 $0xFFFFE000  }
0x89: {  	_ =	swait.ge @!p0 [sflag:s1], $0x2000  }
0x8a: {  	[sflag:s1] =	ssyncset.done @!p0 $0x0  }
0x8b: {  	[sflag:s1] =	ssyncadd.s32 @!p0 $0xFFFFE000  }
0x8c: {  	_ =	swait.ge @!p0 [sflag:s1], $0x2000  }
0x8d: {  	s0 =	sshra.s32 s29, $0x2;
	[sflag:s1] =	ssyncset.done @!p0 $0x0  }
0x8e: {  	s11 =	sadd.s32 $0x140, s0;
	[sflag:s1] =	ssyncadd.s32 @!p0 $0xFFFFE000  }
0x8f: {  	[tilespmem:s17], [sflag:$0x2] =	stream.indirect.gather [hbm4b:s3+s8], $0x80, s11, s8, $0xb8;
	[tilespmem:$0x1A400] =	vst v63  }
0x90: {  	s13 =	sadd.s32 $0x180, s0  }
0x91: {  	[tilespmem:s18], [sflag:$0x2] =	stream.indirect.gather [hbm4b:s3+s8], $0x80, s13, s8, $0xb8;
	[tilespmem:$0x1A400] =	vst v63  }
0x92: {  	s15 =	sadd.s32 $0x1C0, s0  }
0x93: {  	[tilespmem:s19], [sflag:$0x2] =	stream.indirect.gather [hbm4b:s3+s8], $0x80, s15, s8, $0xb8;
	[tilespmem:$0x1A400] =	vst v63  }
0x94: {  	s5 =	sadd.s32 $0x200, s0  }
0x95: {  	[tilespmem:s20], [sflag:$0x2] =	stream.indirect.gather [hbm4b:s3+s8], $0x80, s5, s8, $0xb8;
	[tilespmem:$0x1A400] =	vst v63  }
0x96: {  	s0 =	sadd.s32 $0x240, s0  }
0x97: {  	[tilespmem:s21], [sflag:$0x2] =	stream.indirect.gather [hbm4b:s3+s8], $0x80, s0, s8, $0xb8;
	[tilespmem:$0x1A400] =	vst v63  }
0x98: {  	_ =	swait.ge [sflag:s22], $0x2000  }
0x99: {  	[sflag:s22] =	ssyncset.done $0x0  }
0x9a: {  	[sflag:s22] =	ssyncadd.s32 $0xFFFFE000  }
0x9b: {  	_ =	swait.ge [sflag:s22], $0x2000  }
0x9c: {  	[sflag:s22] =	ssyncset.done $0x0  }
0x9d: {  	[sflag:s22] =	ssyncadd.s32 $0xFFFFE000  }
0x9e: {  	_ =	swait.ge [sflag:s22], $0x2000  }
0x9f: {  	[sflag:s22] =	ssyncset.done $0x0  }
0xa0: {  	[sflag:s22] =	ssyncadd.s32 $0xFFFFE000  }
0xa1: {  	_ =	swait.ge [sflag:s22], $0x2000  }
0xa2: {  	[sflag:s22] =	ssyncset.done $0x0  }
0xa3: {  	[sflag:s22] =	ssyncadd.s32 $0xFFFFE000  }
0xa4: {  	_ =	swait.ge [sflag:s22], $0x2000  }
0xa5: {  	s11 =	rddreg [dreg:$0x3];
	[sflag:s22] =	ssyncset.done $0x0  }
0xa6: {  	[sflag:s22] =	ssyncadd.s32 $0xFFFFE000;
	s1 =	sadd.s32 s28, s11  }
0xa7: {  	[hbm4b:s1+s2] =	stream.linear.scatter [tilespmem:s9], [sflag:$0x3], $0x2000, $0x38;
	[tilespmem:$0x1A400] =	vst v63  }
0xa8: {  	s0 =	sadd.s32 $0x400, s1  }
0xa9: {  	[hbm4b:s0+s2] =	stream.linear.scatter [tilespmem:s10], [sflag:$0x3], $0x2000, $0x38;
	[tilespmem:$0x1A400] =	vst v63  }
0xaa: {  	s13 =	sadd.s32 $0x800, s1  }
0xab: {  	[hbm4b:s13+s2] =	stream.linear.scatter [tilespmem:s12], [sflag:$0x3], $0x2000, $0x38;
	[tilespmem:$0x1A400] =	vst v63  }
0xac: {  	s15 =	sadd.s32 $0xC00, s1  }
0xad: {  	[hbm4b:s15+s2] =	stream.linear.scatter [tilespmem:s14], [sflag:$0x3], $0x2000, $0x38;
	[tilespmem:$0x1A400] =	vst v63  }
0xae: {  	s5 =	sadd.s32 $0x1000, s1  }
0xaf: {  	[hbm4b:s5+s2] =	stream.linear.scatter [tilespmem:s16], [sflag:$0x3], $0x2000, $0x38;
	[tilespmem:$0x1A400] =	vst v63  }
0xb0: {  	_ =	swait.ge [sflag:s23], $0x2000  }
0xb1: {  	[sflag:s23] =	ssyncset.done $0x0  }
0xb2: {  	[sflag:s23] =	ssyncadd.s32 $0xFFFFE000  }
0xb3: {  	_ =	swait.ge [sflag:s23], $0x2000  }
0xb4: {  	[sflag:s23] =	ssyncset.done $0x0  }
0xb5: {  	[sflag:s23] =	ssyncadd.s32 $0xFFFFE000  }
0xb6: {  	_ =	swait.ge [sflag:s23], $0x2000  }
0xb7: {  	[sflag:s23] =	ssyncset.done $0x0  }
0xb8: {  	[sflag:s23] =	ssyncadd.s32 $0xFFFFE000  }
0xb9: {  	_ =	swait.ge [sflag:s23], $0x2000  }
0xba: {  	s31 =	smov.u32 s30;
	[sflag:s23] =	ssyncset.done $0x0  }
0xbb: {  	p2 =	seq.s32 s31, $0x0;
	[sflag:s23] =	ssyncadd.s32 $0xFFFFE000  }
0xbc: {  	p0 =	por p2, p2;
	p2 =	seq.s32 s29, $0x18600;
	_ =	swait.ge [sflag:s23], $0x2000  }
0xbd: {  	s0 =	sshra.s32 @!p2 s29, $0x2;
	s29 =	simm.s32 @!p2 $0x6400;
	[sflag:s23] =	ssyncset.done $0x0  }
0xbe: {  	s11 =	sadd.s32 @!p2 $0x280, s0;
	s13 =	simm.s32 @!p2 $0x40;
	[sflag:s23] =	ssyncadd.s32 $0xFFFFE000  }
0xbf: {  	[tilespmem:s29], [sflag:$0x1] =	stream.indirect.gather @!p2 [hbm4b:s3+s13], $0x80, s11, s13, $0xb8;
	[tilespmem:$0x1A400] =	vst v63  }
0xc0: {  	s11 =	sadd.s32 @!p2 $0x2C0, s0;
	s29 =	simm.s32 @!p2 $0x8400  }
0xc1: {  	[tilespmem:s29], [sflag:$0x1] =	stream.indirect.gather @!p2 [hbm4b:s3+s13], $0x80, s11, s13, $0xb8;
	[tilespmem:$0x1A400] =	vst v63  }
0xc2: {  	s15 =	sadd.s32 @!p2 $0x300, s0;
	s11 =	simm.s32 @!p2 $0xA400  }
0xc3: {  	[tilespmem:s11], [sflag:$0x1] =	stream.indirect.gather @!p2 [hbm4b:s3+s13], $0x80, s15, s13, $0xb8;
	[tilespmem:$0x1A400] =	vst v63  }
0xc4: {  	s5 =	sadd.s32 @!p2 $0x340, s0;
	s11 =	simm.s32 @!p2 $0xC400  }
0xc5: {  	[tilespmem:s11], [sflag:$0x1] =	stream.indirect.gather @!p2 [hbm4b:s3+s13], $0x80, s5, s13, $0xb8;
	[tilespmem:$0x1A400] =	vst v63  }
0xc6: {  	s0 =	sadd.s32 @!p2 $0x380, s0;
	s5 =	simm.s32 @!p2 $0xE400  }
0xc7: {  	[tilespmem:s5], [sflag:$0x1] =	stream.indirect.gather @!p2 [hbm4b:s3+s13], $0x80, s0, s13, $0xb8;
	[tilespmem:$0x1A400] =	vst v63  }
0xc8: {  	_ =	swait.ge [sflag:s24], $0x2000  }
0xc9: {  	[sflag:s24] =	ssyncset.done $0x0  }
0xca: {  	[sflag:s24] =	ssyncadd.s32 $0xFFFFE000  }
0xcb: {  	_ =	swait.ge [sflag:s24], $0x2000  }
0xcc: {  	[sflag:s24] =	ssyncset.done $0x0  }
0xcd: {  	[sflag:s24] =	ssyncadd.s32 $0xFFFFE000  }
0xce: {  	_ =	swait.ge [sflag:s24], $0x2000  }
0xcf: {  	[sflag:s24] =	ssyncset.done $0x0  }
0xd0: {  	[sflag:s24] =	ssyncadd.s32 $0xFFFFE000  }
0xd1: {  	_ =	swait.ge [sflag:s24], $0x2000  }
0xd2: {  	[sflag:s24] =	ssyncset.done $0x0  }
0xd3: {  	[sflag:s24] =	ssyncadd.s32 $0xFFFFE000  }
0xd4: {  	_ =	swait.ge [sflag:s24], $0x2000  }
0xd5: {  	s11 =	rddreg [dreg:$0x4];
	[sflag:s24] =	ssyncset.done $0x0  }
0xd6: {  	s30 =	sadd.s32 $0xA00, s30;
	[sflag:s24] =	ssyncadd.s32 $0xFFFFE000;
	s0 =	sadd.s32 s28, s11  }
0xd7: {  	[hbm4b:s0+s2] =	stream.linear.scatter [tilespmem:s17], [sflag:$0x4], $0x2000, $0x38;
	[tilespmem:$0x1A400] =	vst v63  }
0xd8: {  	p1 =	sne.s32 s30, $0x19000;
	s13 =	sadd.s32 $0x1800, s1  }
0xd9: {  	[hbm4b:s13+s2] =	stream.linear.scatter [tilespmem:s18], [sflag:$0x4], $0x2000, $0x38;
	[tilespmem:$0x1A400] =	vst v63  }
.Ltmp0:
0xda: {  	_ = 	snop;
	(pc) =	sbr.rel @p1 .LBB2_2-.Ltmp0, $4  }
0xdb: {  	s29 =	smov.u32 s31;
	s15 =	sadd.s32 $0x1C00, s1  }
0xdc: {  	[hbm4b:s15+s2] =	stream.linear.scatter [tilespmem:s19], [sflag:$0x4], $0x2000, $0x38;
	[tilespmem:$0x1A400] =	vst v63  }
0xdd: {  	s31 =	sadd.s32 $0x2000, s1;
	s1 =	sadd.s32 $0x2400, s1;
	s28 =	sadd.s32 $0x2800, s28  }
0xde: {  	[hbm4b:s31+s2] =	stream.linear.scatter [tilespmem:s20], [sflag:$0x4], $0x2000, $0x38;
	[tilespmem:$0x1A400] =	vst v63  }
0xdf: {  	[hbm4b:s1+s2] =	stream.linear.scatter [tilespmem:s21], [sflag:$0x4], $0x2000, $0x38;
	[tilespmem:$0x1A400] =	vst v63  }
0xe0: {  	s0 =	simm.s32 @!p0 $0x4  }
0xe1: {  	_ =	swait.ge @!p0 [sflag:s0], $0x2000  }
0xe2: {  	[sflag:s0] =	ssyncset.done @!p0 $0x0  }
0xe3: {  	[sflag:s0] =	ssyncadd.s32 @!p0 $0xFFFFE000  }
0xe4: {  	_ =	swait.ge @!p0 [sflag:s0], $0x2000  }
0xe5: {  	[sflag:s0] =	ssyncset.done @!p0 $0x0  }
0xe6: {  	[sflag:s0] =	ssyncadd.s32 @!p0 $0xFFFFE000  }
0xe7: {  	_ =	swait.ge @!p0 [sflag:s0], $0x2000  }
0xe8: {  	[sflag:s0] =	ssyncset.done @!p0 $0x0  }
0xe9: {  	[sflag:s0] =	ssyncadd.s32 @!p0 $0xFFFFE000  }
0xea: {  	_ =	swait.ge @!p0 [sflag:s0], $0x2000  }
0xeb: {  	[sflag:s0] =	ssyncset.done @!p0 $0x0  }
0xec: {  	[sflag:s0] =	ssyncadd.s32 @!p0 $0xFFFFE000  }
0xed: {  	_ =	swait.ge @!p0 [sflag:s0], $0x2000  }
0xee: {  	s30 =	sshra.s32 s29, $0x2;
	[sflag:s0] =	ssyncset.done @!p0 $0x0  }
0xef: {  	s31 =	sadd.s32 $0x140, s30;
	[sflag:s0] =	ssyncadd.s32 @!p0 $0xFFFFE000  }
0xf0: {  	[tilespmem:s17], [sflag:$0x2] =	stream.indirect.gather [hbm4b:s3+s8], $0x80, s31, s8, $0xb8;
	[tilespmem:$0x1A400] =	vst v63  }
0xf1: {  	s5 =	sadd.s32 $0x180, s30  }
0xf2: {  	[tilespmem:s18], [sflag:$0x2] =	stream.indirect.gather [hbm4b:s3+s8], $0x80, s5, s8, $0xb8;
	[tilespmem:$0x1A400] =	vst v63  }
0xf3: {  	s11 =	sadd.s32 $0x1C0, s30  }
0xf4: {  	[tilespmem:s19], [sflag:$0x2] =	stream.indirect.gather [hbm4b:s3+s8], $0x80, s11, s8, $0xb8;
	[tilespmem:$0x1A400] =	vst v63  }
0xf5: {  	s13 =	sadd.s32 $0x200, s30  }
0xf6: {  	[tilespmem:s20], [sflag:$0x2] =	stream.indirect.gather [hbm4b:s3+s8], $0x80, s13, s8, $0xb8;
	[tilespmem:$0x1A400] =	vst v63  }
0xf7: {  	s15 =	sadd.s32 $0x240, s30  }
0xf8: {  	[tilespmem:s21], [sflag:$0x2] =	stream.indirect.gather [hbm4b:s3+s8], $0x80, s15, s8, $0xb8;
	[tilespmem:$0x1A400] =	vst v63  }
0xf9: {  	_ =	swait.ge [sflag:s22], $0x2000  }
0xfa: {  	[sflag:s22] =	ssyncset.done $0x0  }
0xfb: {  	[sflag:s22] =	ssyncadd.s32 $0xFFFFE000  }
0xfc: {  	_ =	swait.ge [sflag:s22], $0x2000  }
0xfd: {  	[sflag:s22] =	ssyncset.done $0x0  }
0xfe: {  	[sflag:s22] =	ssyncadd.s32 $0xFFFFE000  }
0xff: {  	_ =	swait.ge [sflag:s22], $0x2000  }
0x100: {  	[sflag:s22] =	ssyncset.done $0x0  }
0x101: {  	[sflag:s22] =	ssyncadd.s32 $0xFFFFE000  }
0x102: {  	_ =	swait.ge [sflag:s22], $0x2000  }
0x103: {  	[sflag:s22] =	ssyncset.done $0x0  }
0x104: {  	[sflag:s22] =	ssyncadd.s32 $0xFFFFE000  }
0x105: {  	_ =	swait.ge [sflag:s22], $0x2000  }
0x106: {  	s30 =	rddreg [dreg:$0x3];
	[sflag:s22] =	ssyncset.done $0x0  }
0x107: {  	[sflag:s22] =	ssyncadd.s32 $0xFFFFE000;
	s31 =	sadd.s32 s28, s30  }
0x108: {  	[hbm4b:s31+s2] =	stream.linear.scatter [tilespmem:s9], [sflag:$0x3], $0x2000, $0x38;
	[tilespmem:$0x1A400] =	vst v63  }
0x109: {  	s0 =	sadd.s32 $0x400, s31  }
0x10a: {  	[hbm4b:s0+s2] =	stream.linear.scatter [tilespmem:s10], [sflag:$0x3], $0x2000, $0x38;
	[tilespmem:$0x1A400] =	vst v63  }
0x10b: {  	s5 =	sadd.s32 $0x800, s31  }
0x10c: {  	[hbm4b:s5+s2] =	stream.linear.scatter [tilespmem:s12], [sflag:$0x3], $0x2000, $0x38;
	[tilespmem:$0x1A400] =	vst v63  }
0x10d: {  	s11 =	sadd.s32 $0xC00, s31  }
0x10e: {  	[hbm4b:s11+s2] =	stream.linear.scatter [tilespmem:s14], [sflag:$0x3], $0x2000, $0x38;
	[tilespmem:$0x1A400] =	vst v63  }
0x10f: {  	s13 =	sadd.s32 $0x1000, s31  }
0x110: {  	[hbm4b:s13+s2] =	stream.linear.scatter [tilespmem:s16], [sflag:$0x3], $0x2000, $0x38;
	[tilespmem:$0x1A400] =	vst v63  }
0x111: {  	_ =	swait.ge [sflag:s23], $0x2000  }
0x112: {  	[sflag:s23] =	ssyncset.done $0x0  }
0x113: {  	[sflag:s23] =	ssyncadd.s32 $0xFFFFE000  }
0x114: {  	_ =	swait.ge [sflag:s23], $0x2000  }
0x115: {  	[sflag:s23] =	ssyncset.done $0x0  }
0x116: {  	[sflag:s23] =	ssyncadd.s32 $0xFFFFE000  }
0x117: {  	_ =	swait.ge [sflag:s23], $0x2000  }
0x118: {  	[sflag:s23] =	ssyncset.done $0x0  }
0x119: {  	[sflag:s23] =	ssyncadd.s32 $0xFFFFE000  }
0x11a: {  	_ =	swait.ge [sflag:s23], $0x2000  }
0x11b: {  	[sflag:s23] =	ssyncset.done $0x0  }
0x11c: {  	[sflag:s23] =	ssyncadd.s32 $0xFFFFE000  }
0x11d: {  	p0 =	seq.s32 s29, $0x18600;
	_ =	swait.ge [sflag:s23], $0x2000  }
0x11e: {  	s0 =	sshra.s32 @!p0 s29, $0x2;
	s5 =	simm.s32 @!p0 $0x6400;
	[sflag:s23] =	ssyncset.done $0x0  }
0x11f: {  	s11 =	sadd.s32 @!p0 $0x280, s0;
	s13 =	simm.s32 @!p0 $0x40;
	[sflag:s23] =	ssyncadd.s32 $0xFFFFE000  }
0x120: {  	[tilespmem:s5], [sflag:$0x1] =	stream.indirect.gather @!p0 [hbm4b:s3+s13], $0x80, s11, s13, $0xb8;
	[tilespmem:$0x1A400] =	vst v63  }
0x121: {  	s5 =	sadd.s32 @!p0 $0x2C0, s0;
	s11 =	simm.s32 @!p0 $0x8400  }
0x122: {  	[tilespmem:s11], [sflag:$0x1] =	stream.indirect.gather @!p0 [hbm4b:s3+s13], $0x80, s5, s13, $0xb8;
	[tilespmem:$0x1A400] =	vst v63  }
0x123: {  	s5 =	sadd.s32 @!p0 $0x300, s0;
	s11 =	simm.s32 @!p0 $0xA400  }
0x124: {  	[tilespmem:s11], [sflag:$0x1] =	stream.indirect.gather @!p0 [hbm4b:s3+s13], $0x80, s5, s13, $0xb8;
	[tilespmem:$0x1A400] =	vst v63  }
0x125: {  	s5 =	sadd.s32 @!p0 $0x340, s0;
	s11 =	simm.s32 @!p0 $0xC400  }
0x126: {  	[tilespmem:s11], [sflag:$0x1] =	stream.indirect.gather @!p0 [hbm4b:s3+s13], $0x80, s5, s13, $0xb8;
	[tilespmem:$0x1A400] =	vst v63  }
0x127: {  	s0 =	sadd.s32 @!p0 $0x380, s0;
	s5 =	simm.s32 @!p0 $0xE400  }
0x128: {  	[tilespmem:s5], [sflag:$0x1] =	stream.indirect.gather @!p0 [hbm4b:s3+s13], $0x80, s0, s13, $0xb8;
	[tilespmem:$0x1A400] =	vst v63  }
0x129: {  	_ =	swait.ge [sflag:s24], $0x2000  }
0x12a: {  	[sflag:s24] =	ssyncset.done $0x0  }
0x12b: {  	[sflag:s24] =	ssyncadd.s32 $0xFFFFE000  }
0x12c: {  	_ =	swait.ge [sflag:s24], $0x2000  }
0x12d: {  	[sflag:s24] =	ssyncset.done $0x0  }
0x12e: {  	[sflag:s24] =	ssyncadd.s32 $0xFFFFE000  }
0x12f: {  	_ =	swait.ge [sflag:s24], $0x2000  }
0x130: {  	[sflag:s24] =	ssyncset.done $0x0  }
0x131: {  	[sflag:s24] =	ssyncadd.s32 $0xFFFFE000  }
0x132: {  	_ =	swait.ge [sflag:s24], $0x2000  }
0x133: {  	[sflag:s24] =	ssyncset.done $0x0  }
0x134: {  	[sflag:s24] =	ssyncadd.s32 $0xFFFFE000  }
0x135: {  	_ =	swait.ge [sflag:s24], $0x2000  }
0x136: {  	s15 =	rddreg [dreg:$0x4];
	[sflag:s24] =	ssyncset.done $0x0  }
0x137: {  	[sflag:s24] =	ssyncadd.s32 $0xFFFFE000;
	s0 =	sadd.s32 s28, s15  }
0x138: {  	[hbm4b:s0+s2] =	stream.linear.scatter [tilespmem:s17], [sflag:$0x4], $0x2000, $0x38;
	[tilespmem:$0x1A400] =	vst v63  }
0x139: {  	s28 =	sadd.s32 $0x1800, s31  }
0x13a: {  	[hbm4b:s28+s2] =	stream.linear.scatter [tilespmem:s18], [sflag:$0x4], $0x2000, $0x38;
	[tilespmem:$0x1A400] =	vst v63  }
0x13b: {  	s29 =	sadd.s32 $0x1C00, s31  }
0x13c: {  	[hbm4b:s29+s2] =	stream.linear.scatter [tilespmem:s19], [sflag:$0x4], $0x2000, $0x38;
	[tilespmem:$0x1A400] =	vst v63  }
0x13d: {  	s30 =	sadd.s32 $0x2000, s31  }
0x13e: {  	[hbm4b:s30+s2] =	stream.linear.scatter [tilespmem:s20], [sflag:$0x4], $0x2000, $0x38;
	[tilespmem:$0x1A400] =	vst v63  }
0x13f: {  	s31 =	sadd.s32 $0x2400, s31  }
0x140: {  	[hbm4b:s31+s2] =	stream.linear.scatter [tilespmem:s21], [sflag:$0x4], $0x2000, $0x38;
	[tilespmem:$0x1A400] =	vst v63  }
0x141: {  	_ =	swait.ge [sflag:s25], $0x2000  }
0x142: {  	[sflag:s25] =	ssyncset.done $0x0  }
0x143: {  	[sflag:s25] =	ssyncadd.s32 $0xFFFFE000  }
0x144: {  	_ =	swait.ge [sflag:s25], $0x2000  }
0x145: {  	[sflag:s25] =	ssyncset.done $0x0  }
0x146: {  	[sflag:s25] =	ssyncadd.s32 $0xFFFFE000  }
0x147: {  	_ =	swait.ge [sflag:s25], $0x2000  }
0x148: {  	[sflag:s25] =	ssyncset.done $0x0  }
0x149: {  	s26 =	sadd.s32 $0x1, s26;
	[sflag:s25] =	ssyncadd.s32 $0xFFFFE000  }
0x14a: {  	p0 =	sne.s32 s26, s6;
	_ =	swait.ge [sflag:s25], $0x2000  }
.Ltmp1:
0x14b: {  	[sflag:s25] =	ssyncset.done $0x0;
	(pc) =	sbr.rel @p0 .LBB2_1-.Ltmp1, $4  }
0x14c: {  	[sflag:s25] =	ssyncadd.s32 $0xFFFFE000  }
0x14d: {  	_ =	swait.ge [sflag:s25], $0x2000  }
0x14e: {  	[sflag:s25] =	ssyncset.done $0x0  }
0x14f: {  	[sflag:s25] =	ssyncadd.s32 $0xFFFFE000  }
0x150: {  	_ =	sfence.sel $0x180000  }
0x151: {  	[bflag:$0x0] =	sbarrier.arrive $0xFFFF  }
0x152: {  	_ =	strace $0x90000047  }
0x153: {  	s0 =	stileid.u32;
	[bflag:$0x2] =	sbarrier.arrive $0xFFFF  }
0x154: {  	p0 =	sne.s32 s0, $0x0;
	s0 =	rddreg [dreg:$0x2]  }
0x155: {  	s0 =	sadd.s32 @!p0 $0x100000, s0  }
0x156: {  	[sflag:s0] =	ssyncadd.tile.s32 @!p0 $0x1;
	_ =	shalt  }
.Lfunc_end2:
_tile_overlayer_lowered:
.L_overlay_start_2:
0x157: {  	(tag) =	ssettag $0x2  }
0x158: {  	s0 =	rddreg [dreg:$0x0];
	s2 =	stileid.u32  }
0x159: {  	s1 =	rddreg [dreg:$0x1];
	p0 =	sne.s32 s2, $0x0  }
0x15a: {  	s3 =	rddreg [dreg:$0x2];
	[bflag:$0x3] =	sbarrier.arrive $0xFFFF;
	s2 =	simm.s32 @!p0 $0x1C05  }
0x15b: {  	[timem:s3], [sflag:s2] =	dma.local @!p0 [hbm:s0], s1  }
0x15c: {  	s0 =	simm.s32 @!p0 $0x5  }
0x15d: {  	_ =	swait.ge @!p0 [sflag:s0], s1  }
0x15e: {  	s1 =	ssub.s32 @!p0 $0x0, s1;
	[sflag:s0] =	ssyncset.done @!p0 $0x0  }
0x15f: {  	[sflag:s0] =	ssyncadd.s32 @!p0 s1  }
0x160: {  	[bflag:$0x3] =	sbarrier.arrive $0xFFFF  }
0x161: {  	_ =	shalt  }

// kernel: sparse-core-data-format-call.cloned.1.call-start
scs
called_computation_lowered:
.L_overlay_start_0:
0x0: {  	s2 =	sld [smem:$0x3FD9]  }
0x1: {  	s3 =	sld [smem:$0x3FFE];
	_ =	sdelay $0x1  }
0x2: {  	s1 =	srdreg.scid  }
0x3: {  	s0 =	sand.u32 $0x1, s1  }
0x4: {  	s18 =	sshll.u32 s0, $0xA;
	s2 =	sadd.s32 s3, s2  }
0x5: {  	s2 =	sadd.s32 s2, s18  }
0x6: {  	[smem:$0x3FC6] =	sst s2  }
0x7: {  	_ = 	snop  }
0x8: {  	s2 =	sld [smem:$0x3FD0];
	(tm) =	ssettm $0x1  }
0x9: {  	s19 =	sld [smem:$0x3FFB];
	_ =	sdelay $0x3  }
0xa: {  	_ =	strace s19  }
0xb: {  	s3 =	sld [smem:$0x3FFC];
	_ =	sdelay $0x3  }
0xc: {  	_ =	strace s3  }
0xd: {  	s3 =	sld [smem:$0x3FFD];
	_ =	sdelay $0x3  }
0xe: {  	_ =	strace s3  }
0xf: {  	_ =	strace $0x8FFFFFFF  }
0x10: {  	s20 =	sld [smem:$0x3FDB];
	_ =	sdelay $0x1  }
0x11: {  	s4 =	simm.s32 $_scs_section_size  }
0x12: {  	s5 =	simm.s32 $_size__tile_overlayer_lowered;
	s6 =	simm.s32 $_tile_overlayer_lowered  }
0x13: {  	s23 =	simm.s32 $0x1BFF;
	s22 =	sshll.u32 s6, $0x1;
	s3 =	sadd.s32 s4, s20  }
0x14: {  	s7 =	simm.s32 $0x0;
	s21 =	sshll.u32 s5, $0x1;
	s5 =	sadd.s32 s22, s3  }
0x15: {  	[timem:s7], [sflag:s23] =	dma.local [hbm:s5], s21  }
0x16: {  	_ =	swait.ge [sflag:s23], s21  }
0x17: {  	s4 =	ssub.s32 $0x0, s21;
	[sflag:s23] =	ssyncset.done $0x0  }
0x18: {  	[sflag:s23] =	ssyncadd.s32 s4;
	_ =	sdelay $0x1  }
0x19: {  	s24 =	simm.s32 $0x1B8B  }
0x1a: {  	_ =	swait.ge [sflag:s24], $0x1  }
0x1b: {  	[sflag:s24] =	ssyncset.done $0x0  }
0x1c: {  	s26 =	simm.s32 $0x1B8E;
	s25 =	sld [smem:$0x3FFE];
	[sflag:s24] =	ssyncadd.s32 $0xFFFFFFFF  }
0x1d: {  	s27 =	simm.s32 $execute0_lowered;
	[smem:$0x3FD2] =	sst s26  }
0x1e: {  	s5 =	sshll.u32 s27, $0x1;
	_ =	strace $0x80000049;
	[dreg:$0x1] =	wrdreg $0xFFFFFFFF  }
0x1f: {  	s28 =	simm.s32 $_size_execute0_lowered;
	s3 =	sadd.s32 s3, s5;
	[dreg:$0x0] =	wrdreg $0x0  }
0x20: {  	s5 =	sshll.u32 s28, $0x1;
	[dreg:$0x2] =	wrdreg s3  }
0x21: {  	[dreg:$0x3] =	wrdreg s5  }
0x22: {  	[dreg:$0x4] =	wrdreg $0xC0  }
0x23: {  	_ =	task [dreg:s7], $0x5FFFF  }
0x24: {  	[dreg:$0x1] =	wrdreg $0xFFFFFFFF  }
0x25: {  	[dreg:$0x0] =	wrdreg $0x60  }
0x26: {  	[dreg:$0x2] =	wrdreg s25  }
0x27: {  	[dreg:$0x3] =	wrdreg s2  }
0x28: {  	[dreg:$0x4] =	wrdreg $0x9  }
0x29: {  	_ =	task.clear_ibuf [dreg:s7], $0x5FFFF;
	_ =	strace $0x90000049  }
0x2a: {  	s29 =	simm.s32 $0x9;
	_ =	strace $0x8000004B  }
0x2b: {  	_ =	swait.ge [sflag:s29], $0x1  }
0x2c: {  	[sflag:s29] =	ssyncadd.s32 $0xFFFFFFFF  }
0x2d: {  	_ =	strace $0x9000004B  }
0x2e: {  	_ =	sfence  }
0x2f: {  	s30 =	sld [smem:$0x0];
	_ =	sdelay $0x2  }
0x30: {  	s31 =	sshll.u32 s1, $0xD;
	s1 =	sshrl.u32 s1, $0x2  }
0x31: {  	s3 =	sand.u32 $0x4000, s31;
	s1 =	sadd.s32 s1, s30  }
0x32: {  	s0 =	sor.u32 s3, s0;
	s1 =	sshll.u32 s1, $0x11  }
0x33: {  	s0 =	sor.u32 s1, s0  }
0x34: {  	s0 =	sadd.s32 $0x8F2B, s0  }
0x35: {  	[sflag:s0] =	ssyncadd.remote.s32 $0x1  }
0x36: {  	_ =	sfence.sel $0xFFFF  }
0x37: {  	[dreg:$0x0] =	wrdreg $0xFFFFFFFF;
	(pc) =	sbr.abs _section_cstart, $3  }
0x38: {  	[dreg:$0x1] =	wrdreg $0xFFFFFFFF  }
0x39: {  	_ =	task.clear_ibuf [dreg:s7], $0x2FFFF;
	_ =	strace $0x9FFFFFFF  }
0x3a: {  	(tm) =	ssettm $0x7FFFFFFF  }
0x3b: {  	_ =	shalt  }
tec
execute0_lowered:
.L_overlay_start_1:
0x0: {  	(tag) =	ssettag $0x1  }
0x1: {  	s0 =	srdreg.scid  }
0x2: {  	s1 =	sshll.u32 s0, $0x4  }
0x3: {  	s0 =	stileid.u32;
	s1 =	sand.u32 $0x10, s1  }
0x4: {  	s1 =	sor.u32 s0, s1  }
0x5: {  	s6 =	rddreg [dreg:$0x0];
	s4 =	simm.s32 $0x1;
	s2 =	sshll.u32 s1, $0x7  }
0x6: {  	s7 =	simm.s32 $0x2;
	s12 =	simm.s32 $0x0;
	s1 =	ssub.s32 $0x1000, s2  }
0x7: {  	s8 =	simm.s32 $0x8000;
	s13 =	simm.s32 $0x0;
	s3 =	sand.u32 $0xF80, s1  }
0x8: {  	s9 =	simm.s32 $0x0;
	s5 =	sshrl.u32 s1, $0xC;
	p0 =	sne.s32 s3, $0x0  }
.Ltmp0:
0x9: {  	s1 =	rddreg [dreg:$0x2];
	s4 =	simm.s32 @!p0 $0x0;
	(pc) =	sbr.rel .LBB1_1-.Ltmp0, $4  }
0xa: {  	s11 =	simm.s32 $0x0;
	s3 =	rddreg [dreg:$0x1];
	s5 =	sadd.s32 s4, s5  }
0xb: {  	_ =	strace $0x8000004A;
	s4 =	simm.s32 $0x1;
	s5 =	smul.u32 $0xC8, s5  }
0xc: {  	s6 =	sadd.s32 $0xA00, s6;
	s10 =	smov.u32 s2;
	[sflag:s4] =	ssyncpa.u1 $0x0  }
0xd: {  	p0 =	por $0x0, $0x0;
	[sflag:s7] =	ssyncpa.u1 $0x0;
	s7 =	sor.u32 $0x1, s5  }
.LBB1_4:
0xe: {  	s16 =	sshll.u32 s13, $0x3;
	s17 =	sand.u32 $0x78, s13  }
0xf: {  	s30 =	sand.u32 $0x7E00, s13;
	s12 =	sshll.u32 s12, $0xF;
	s16 =	sand.u32 $0xC00, s16  }
0x10: {  	[tilespmem:s15+$0x810 ss:$0x81] =	vst.msk $0xffff, v2;
	s31 =	sand.u32 $0x7, s13;
	s16 =	sor.u32 s17, s16;
	s17 =	sadd.s32 s3, s30  }
0x11: {  	[tilespmem:s15+$0x1020 ss:$0x81] =	vst.msk $0xffff, v0;
	s13 =	sshll.u32 s31, $0x12;
	s12 =	sadd.s32 s12, s17;
	s16 =	sshrl.u32 s16, $0x3  }
0x12: {  	[tilespmem:s15+$0x0 ss:$0x81] =	vst.msk $0xffff, v1;
	s13 =	sor.u32 $0x400, s13;
	s12 =	sadd.s32 s16, s12  }
0x13: {  	[hbm4b:s12+s13] =	stream.strided.scatter [tilespmem:s14], [sflag:$0x2], $0x2000, s8, s13, $0x20;
	[tilespmem:$0x8080] =	vst v63  }
.LBB1_5:
0x14: {  	s14 =	sadd.s32 $0x1, s9  }
0x15: {  	s12 =	sadd.s32 $0x1000, s10;
	s16 =	smov.u32 s10;
	p2 =	sgt.s32 s14, $0xC7  }
0x16: {  	s16 =	smov.u32 @p2 s12  }
0x17: {  	s14 =	simm.s32 @p2 $0x0;
	p2 =	sgt.s32 s16, $0xFFF  }
0x18: {  	s16 =	smov.u32 @p2 s2;
	p2 =	sne.s32 s11, s7  }
.Ltmp1:
0x19: {  	p1 =	slt.u32 s11, $0x2;
	(pc) =	sbr.rel @!p2 .LBB1_6-.Ltmp1, $4  }
0x1a: {  	s15 =	simm.s32 @!p1 $0x2  }
0x1b: {  	s13 =	smov.u32 s10;
	p0 =	por !p0, !p0;
	_ =	swait.ge @!p1 [sflag:s15], $0x2000  }
0x1c: {  	s12 =	smov.u32 s9;
	[sflag:s15] =	ssyncset.done @!p1 $0x0;
	s9 =	smov.u32 s14  }
0x1d: {  	s11 =	sadd.s32 $0x1, s11;
	[sflag:s15] =	ssyncadd.s32 @!p1 $0xFFFFE000;
	s10 =	smov.u32 s16  }
.LBB1_1:
0x1e: {  	p1 =	sge.u32 s11, s5  }
0x1f: {  	s14 =	sand.u32 @!p1 $0x1FFFFFF, s9  }
0x20: {  	s15 =	smulhi.u32 @!p1 $0x147AE15, s14;
	_ =	sdelay $0x1  }
0x21: {  	s15 =	smul.u32 @!p1 $0xC8, s15  }
0x22: {  	s16 =	sxor.u32 @!p1 $0xFFFFFFFF, s11;
	s17 =	smul.u32 @!p1 $0xC80, s10  }
0x23: {  	s31 =	sadd.s32 $0xFFFFFFFF, s11;
	s16 =	sshll.u32 @!p1 s16, $0xD;
	s14 =	ssub.s32 @!p1 s14, s15  }
0x24: {  	s15 =	sand.u32 @!p1 $0x2000, s16;
	s16 =	sadd.s32 @!p1 s6, s17;
	s14 =	sshll.u32 @!p1 s14, $0x4  }
0x25: {  	s17 =	simm.s32 @!p1 $0x6400;
	s14 =	sadd.s32 @!p1 s14, s16;
	s16 =	simm.s32 @!p1 $0x40  }
0x26: {  	[tilespmem:s15], [sflag:$0x1] =	stream.strided.gather @!p1 [hbm4b:s14+s16], $0x2000, s17, s16, $0x38;
	[tilespmem:$0x8080] =	vst v63  }
0x27: {  	p1 =	sge.u32 s31, s5  }
.Ltmp2:
0x28: {  	_ = 	snop;
	(pc) =	sbr.rel @p1 .LBB1_5-.Ltmp2, $1  }
0x29: {  	_ =	sdelay $0x3  }
0x2a: {  	s14 =	simm.s32 $0x1  }
0x2b: {  	_ =	swait.ge [sflag:s4], $0x2000;
	s14 =	simm.s32 @!p0 $0x0  }
0x2c: {  	[sflag:s4] =	ssyncset.done $0x0;
	s15 =	sshll.u32 s14, $0xD  }
0x2d: {  	[sflag:s4] =	ssyncadd.s32 $0xFFFFE000;
	s18 =	sor.u32 $0x20, s15  }
0x2e: {  	s14 =	smul.u32 $0x8100, s14;
	v3 =	vld [tilespmem:s18+$0x10]  }
0x2f: {  	s30 =	sand.u32 $0x1, s11;
	v2 =	vld [tilespmem:s18+$0xFFFFFFF0]  }
0x30: {  	s15 =	smul.u32 $0x8100, s30;
	s14 =	sshrl.u32 s14, $0x2;
	v0 =	vld [tilespmem:s18+$0x0]  }
0x31: {  	v1 =	vld [tilespmem:s18+$0xFFFFFFE0];
	s16 =	sor.u32 $0x4000, s14  }
0x32: {  	s31 =	sshrl.u32 s15, $0x2;
	s15 =	sadd.s32 $0x0, s16  }
0x33: {  	s17 =	simm.s32 $0x4;
	s18 =	sadd.s32 $0x40, s18;
	s14 =	sor.u32 $0x4000, s31;
	[tilespmem:s15+$0x1830 ss:$0x81] =	vst.msk $0xffff, v3  }
.LBB1_3:
0x34: {  	v3 =	vld [tilespmem:s18+$0x10];
	p1 =	sne.s32 s17, $0x1FC;
	[tilespmem:s15+$0x810 ss:$0x81] =	vst.msk $0xffff, v2;
	s19 =	smov.u32 s17;
	s17 =	sadd.s32 $0x4, s17  }
.Ltmp3:
0x35: {  	v2 =	vld [tilespmem:s18+$0xFFFFFFF0];
	[tilespmem:s15+$0x1020 ss:$0x81] =	vst.msk $0xffff, v0;
	(pc) =	sbr.rel @p1 .LBB1_3-.Ltmp3, $4  }
0x36: {  	v0 =	vld [tilespmem:s18+$0x0];
	[tilespmem:s15+$0x0 ss:$0x81] =	vst.msk $0xffff, v1  }
0x37: {  	s15 =	sshra.s32 s19, $0x2;
	v1 =	vld [tilespmem:s18+$0xFFFFFFE0]  }
0x38: {  	s15 =	sadd.s32 s15, s16  }
0x39: {  	s18 =	sadd.s32 $0x40, s18;
	[tilespmem:s15+$0x1830 ss:$0x81] =	vst.msk $0xffff, v3  }
.Ltmp4:
0x3a: {  	_ = 	snop;
	(pc) =	sbr.rel .LBB1_4-.Ltmp4, $1  }
0x3b: {  	_ =	sdelay $0x3  }
.LBB1_6:
0x3c: {  	_ =	sfence.sel $0x180000  }
0x3d: {  	s2 =	simm.s32 $0x1;
	[bflag:$0x0] =	sbarrier.arrive $0xFFFF  }
0x3e: {  	s31 =	simm.s32 $0x2;
	[sflag:s2] =	ssyncpa.u1 $0x1  }
0x3f: {  	[sflag:s31] =	ssyncpa.u1 $0x1  }
0x40: {  	p0 =	sne.s32 s0, $0x0;
	_ =	strace $0x9000004A  }
0x41: {  	s0 =	sadd.s32 @!p0 $0x100000, s1;
	[bflag:$0x2] =	sbarrier.arrive $0xFFFF  }
0x42: {  	[sflag:s0] =	ssyncadd.tile.s32 @!p0 $0x1;
	_ =	shalt  }
.Lfunc_end1:
_tile_overlayer_lowered:
.L_overlay_start_2:
0x43: {  	(tag) =	ssettag $0x2  }
0x44: {  	s0 =	rddreg [dreg:$0x0];
	s2 =	stileid.u32  }
0x45: {  	s1 =	rddreg [dreg:$0x1];
	p0 =	sne.s32 s2, $0x0  }
0x46: {  	s3 =	rddreg [dreg:$0x2];
	[bflag:$0x3] =	sbarrier.arrive $0xFFFF;
	s2 =	simm.s32 @!p0 $0x1C01  }
0x47: {  	[timem:s3], [sflag:s2] =	dma.local @!p0 [hbm:s0], s1  }
0x48: {  	s0 =	simm.s32 @!p0 $0x1  }
0x49: {  	_ =	swait.ge @!p0 [sflag:s0], s1  }
0x4a: {  	s1 =	ssub.s32 @!p0 $0x0, s1;
	[sflag:s0] =	ssyncset.done @!p0 $0x0  }
0x4b: {  	[sflag:s0] =	ssyncadd.s32 @!p0 s1  }
0x4c: {  	[bflag:$0x3] =	sbarrier.arrive $0xFFFF  }
0x4d: {  	_ =	shalt  }

</sc_bundles>
